<compile_context>
chip_gen: v7x
topology: tpu7x:2x2x1
jax: 0.10.2.dev20260603
libtpu: 0.0.44.dev20260713+nightly
codegen_flags: <defaults>
</compile_context>

<pallas_src>
import functools

import jax
import jax.numpy as jnp
from jax import lax
from jax.experimental import pallas as pl
from jax.experimental.pallas import tpu as pltpu
from jax.experimental.pallas import tpu_sc as plsc

_N = 320000
_D = 128
_S = 1024
_C = 128
_NCHUNK = _N // _C
_NC = 2
_NS = 16
_NW = _NC * _NS
_CPW = _NCHUNK // _NW
_XTRA = _NCHUNK - _CPW * _NW
_NPAIR = _CPW // 2
_IPW = _CPW + 1 + 9
_RPT = _S // _NS


def _sc_segment_sum(x1, x2, x3, batch, scalesb):
    mesh = plsc.VectorSubcoreMesh(core_axis_name="c", subcore_axis_name="s")

    @functools.partial(
        pl.kernel,
        mesh=mesh,
        out_type=jax.ShapeDtypeStruct((_NC, _S, _D), jnp.float32),
        scratch_types=[
            pltpu.VMEM((_C, _D), jnp.float32),
            pltpu.VMEM((_C, _D), jnp.float32),
            pltpu.VMEM((_C, _D), jnp.float32),
            pltpu.VMEM((_C, _D), jnp.float32),
            pltpu.VMEM((_C, _D), jnp.float32),
            pltpu.VMEM((_C, _D), jnp.float32),
            pltpu.VMEM((_IPW, _C), jnp.int32),
            pltpu.VMEM((3, 16), jnp.float32),
            pltpu.VMEM_SHARED((_S, _D), jnp.float32),
            pltpu.SemaphoreType.DMA,
            pltpu.SemaphoreType.DMA,
            pltpu.SemaphoreType.DMA,
            pltpu.SemaphoreType.DMA,
        ],
    )
    def body(x1h, x2h, x3h, bh, sclh, outh,
             r1a, r2a, r3a, r1b, r2b, r3b, idx_v, scl_v,
             acc, lsa, lsb, ssa, ssb):
        cid = lax.axis_index("c")
        sid = lax.axis_index("s")
        wid = sid * _NC + cid
        bufs_a = (r1a, r2a, r3a)
        bufs_b = (r1b, r2b, r3b)

        def issue_loads23(c, bufs, sem):
            base = c * _C
            r1, r2, r3 = bufs
            pltpu.async_copy(x2h.at[pl.ds(base, _C)], r2, sem)
            pltpu.async_copy(x3h.at[pl.ds(base, _C)], r3, sem)

        def issue_load1(c, bufs, sem):
            base = c * _C
            r1, r2, r3 = bufs
            pltpu.async_copy(x1h.at[pl.ds(base, _C)], r1, sem)

        def issue_loads(c, bufs, sem):
            issue_loads23(c, bufs, sem)
            issue_load1(c, bufs, sem)

        def drain_loads(bufs, sem):
            r1, r2, r3 = bufs
            pltpu.make_async_copy(x1h.at[pl.ds(0, _C)], r1, sem).wait()
            pltpu.make_async_copy(x2h.at[pl.ds(0, _C)], r2, sem).wait()
            pltpu.make_async_copy(x3h.at[pl.ds(0, _C)], r3, sem).wait()

        def combine(bufs):
            r1, r2, r3 = bufs
            s1 = scl_v[0]
            s2 = scl_v[1]
            s3 = scl_v[2]

            def row_body(r, carry):
                for j in range(_D // 16):
                    sl = pl.ds(j * 16, 16)
                    r1[r, sl] = (r1[r, sl] * s1 + r2[r, sl] * s2
                                 + r3[r, sl] * s3)
                return carry

            lax.fori_loop(0, _C, row_body, 0)

        def issue_scat(k, bufs, sem):
            r1, r2, r3 = bufs
            pltpu.async_copy(r1, acc.at[idx_v.at[ioff + k]], sem, add=True)

        def drain_scat(bufs, sem):
            r1, r2, r3 = bufs
            pltpu.make_async_copy(r1, acc.at[pl.ds(0, _C)], sem).wait()

        def zrow_body(r, carry):
            for j in range(_D // 16):
                r1a[r, pl.ds(j * 16, 16)] = jnp.zeros((16,), jnp.float32)
            return carry

        lax.fori_loop(0, _RPT, zrow_body, 0)
        pltpu.sync_copy(r1a.at[pl.ds(0, _RPT)],
                        acc.at[pl.ds(sid * _RPT, _RPT)])
        pltpu.sync_copy(sclh, scl_v)

        s_w = wid * _CPW + jnp.minimum(wid, _XTRA)
        abase = s_w // 8 * 8
        ioff = s_w - abase
        pltpu.sync_copy(bh.at[pl.ds(abase, _IPW)], idx_v)
        plsc.subcore_barrier()

        issue_loads(s_w, bufs_a, lsa)

        def pair_body(p, carry):
            c0 = s_w + 2 * p

            issue_loads23(c0 + 1, bufs_b, lsb)

            @pl.when(p > 0)
            def _():
                drain_scat(bufs_b, ssb)

            issue_load1(c0 + 1, bufs_b, lsb)
            drain_loads(bufs_a, lsa)
            combine(bufs_a)
            issue_scat(2 * p, bufs_a, ssa)

            @pl.when(p < _NPAIR - 1)
            def _():
                issue_loads23(c0 + 2, bufs_a, lsa)
                drain_scat(bufs_a, ssa)
                issue_load1(c0 + 2, bufs_a, lsa)

            drain_loads(bufs_b, lsb)
            combine(bufs_b)
            issue_scat(2 * p + 1, bufs_b, ssb)
            return carry

        lax.fori_loop(0, _NPAIR, pair_body, 0)
        drain_scat(bufs_a, ssa)
        drain_scat(bufs_b, ssb)

        @pl.when(wid < _XTRA)
        def _():
            issue_loads(s_w + _CPW, bufs_a, lsa)
            drain_loads(bufs_a, lsa)
            combine(bufs_a)
            issue_scat(_CPW, bufs_a, ssa)
            drain_scat(bufs_a, ssa)

        plsc.subcore_barrier()

        r0 = sid * _RPT
        pltpu.sync_copy(acc.at[pl.ds(r0, _RPT)], r1a.at[pl.ds(0, _RPT)])
        pltpu.sync_copy(r1a.at[pl.ds(0, _RPT)],
                        outh.at[cid].at[pl.ds(r0, _RPT)])

    return body(x1, x2, x3, batch, scalesb)


def _tc_add(partials):
    def body(p_ref, o_ref):
        o_ref[...] = p_ref[0] + p_ref[1]

    return pl.pallas_call(
        body,
        out_shape=jax.ShapeDtypeStruct((_S, _D), jnp.float32),
    )(partials)


def kernel(x1, x2, x3, batch, scales):
    batch_i = batch.astype(jnp.int32)
    batch2d = jnp.pad(batch_i.reshape(_NCHUNK, _C), ((0, _IPW), (0, 0)))
    scalesb = jnp.broadcast_to(
        scales.astype(jnp.float32)[:, None], (3, 16))
    partials = _sc_segment_sum(x1, x2, x3, batch2d, scalesb)
    return _tc_add(partials)

# --- scband reference (transcript-rebuilt; emitter-appended) ---
"""Pipeline reference for scband-atomwise-reduce-spin-gnn-64080912056847 (READ-ONLY COPY).

The authoritative reference and input builder live on the scoring server;
editing this copy changes nothing except your own understanding.
"""

import jax, jax.numpy as jnp
import numpy as np

N = 320000
D = 128
NUM_SEGMENTS = 1024


def setup_inputs(seed: int = 0) -> dict:
    key = jax.random.key(seed)
    k1, k2, k3, k4 = jax.random.split(key, 4)
    x1 = jax.random.normal(k1, (N, D), dtype=jnp.float32)
    x2 = jax.random.normal(k2, (N, D), dtype=jnp.float32)
    x3 = jax.random.normal(k3, (N, D), dtype=jnp.float32)
    batch = jnp.sort(jax.random.randint(k4, (N,), 0, NUM_SEGMENTS, dtype=jnp.int64))
    # learned per-contribution scales (torch.nn.Parameter(torch.ones(3)))
    scales = jnp.ones((3,), dtype=jnp.float32)
    return {"x1": x1, "x2": x2, "x3": x3, "batch": batch, "scales": scales}


def reference(x1, x2, x3, batch, scales):
    # scatter(data[field], batch, dim=0, reduce='sum') for each of the 3 fields
    term1 = jax.ops.segment_sum(x1, batch, num_segments=NUM_SEGMENTS)
    term2 = jax.ops.segment_sum(x2, batch, num_segments=NUM_SEGMENTS)
    term3 = jax.ops.segment_sum(x3, batch, num_segments=NUM_SEGMENTS)
    # per_contrib_scales: each term scaled by its learned scalar
    term1 = term1 * scales[0]
    term2 = term2 * scales[1]
    term3 = term3 * scales[2]
    out = term1 + term2 + term3
    # constant == 1.0 since reduce='sum' (not 'normalized_sum'), so no extra scaling
    return out

if __name__ == "__main__":
    import jax
    _d = setup_inputs()
    print(jax.jit(kernel)(*tuple(_d.values())))

</pallas_src>

<mosaic_0001>
#map = affine_map<(d0, d1) -> (0, 0)>
#map1 = affine_map<(d0, d1) -> (0, 0, 0)>
module attributes {stable_mosaic.version = 14 : i64} {
  func.func @body(%arg0: i32, %arg1: i32, %arg2: memref<320000x128xf32, #tpu.memory_space<hbm>>, %arg3: memref<320000x128xf32, #tpu.memory_space<hbm>>, %arg4: memref<320000x128xf32, #tpu.memory_space<hbm>>, %arg5: memref<2588x128xi32, #tpu.memory_space<hbm>>, %arg6: memref<3x16xf32, #tpu.memory_space<hbm>>, %arg7: memref<2x1024x128xf32, #tpu.memory_space<hbm>>, %arg8: memref<128x128xf32, #tpu.memory_space<vmem>>, %arg9: memref<128x128xf32, #tpu.memory_space<vmem>>, %arg10: memref<128x128xf32, #tpu.memory_space<vmem>>, %arg11: memref<128x128xf32, #tpu.memory_space<vmem>>, %arg12: memref<128x128xf32, #tpu.memory_space<vmem>>, %arg13: memref<128x128xf32, #tpu.memory_space<vmem>>, %arg14: memref<88x128xi32, #tpu.memory_space<vmem>>, %arg15: memref<3x16xf32, #tpu.memory_space<vmem>>, %arg16: memref<1024x128xf32, #tpu.memory_space<vmem_shared>>, %arg17: memref<!tpu.dma_semaphore, #tpu.memory_space<semaphore_mem>>, %arg18: memref<!tpu.dma_semaphore, #tpu.memory_space<semaphore_mem>>, %arg19: memref<!tpu.dma_semaphore, #tpu.memory_space<semaphore_mem>>, %arg20: memref<!tpu.dma_semaphore, #tpu.memory_space<semaphore_mem>>) attributes {dimension_semantics = [#tpu.dimension_semantics<core_parallel>, #tpu.dimension_semantics<subcore_parallel>], iteration_bounds = array<i64: 2, 16>, scalar_prefetch = 0 : i64, scratch_operands = 13 : i64, tpu.core_type = #tpu.core_type<sc_vector_subcore>, window_params = [{transform_indices = #map}, {transform_indices = #map}, {transform_indices = #map}, {transform_indices = #map}, {transform_indices = #map}, {transform_indices = #map1}]} {
    %mul3A = arith.constant 2 : i32
    %mul3A_0 = arith.muli %arg1, %mul3A : i32
    %add3A = arith.addi %mul3A_0, %arg0 : i32
    %scan3A = arith.constant 0 : i32
    %scan3A_1 = arith.constant 0 : i32
    %scan3A_2 = arith.constant 64 : i32
    %scan3A_3 = arith.addi %scan3A_1, %scan3A_2 : i32
    %scan3A_4 = arith.constant 1 : i32
    scf.for %scan3A_68 = %scan3A_1 to %scan3A_3 step %scan3A_4  : i32 {
      %broadcast_in_dim3A = arith.constant 0.000000e+00 : f32
      %broadcast_in_dim3A_69 = vector.broadcast %broadcast_in_dim3A : f32 to vector<16xf32>
      %swap3A = arith.index_cast %scan3A_68 : i32 to index
      %swap3A_70 = arith.constant 0 : index
      %swap3A_71 = tpu.vector_load %arg8[%swap3A, %swap3A_70] {strides = array<i32>} : memref<128x128xf32, #tpu.memory_space<vmem>>, vector<1x16xf32>,
      %swap3A_72 = vector.shape_cast %swap3A_71 : vector<1x16xf32> to vector<16xf32>
      %swap3A_73 = vector.shape_cast %broadcast_in_dim3A_69 : vector<16xf32> to vector<1x16xf32>
      tpu.vector_store %arg8[%swap3A, %swap3A_70], %swap3A_73 {strides = array<i32>} : memref<128x128xf32, #tpu.memory_space<vmem>>, vector<1x16xf32>,
      %broadcast_in_dim3A_74 = arith.constant 0.000000e+00 : f32
      %broadcast_in_dim3A_75 = vector.broadcast %broadcast_in_dim3A_74 : f32 to vector<16xf32>
      %swap3A_76 = arith.index_cast %scan3A_68 : i32 to index
      %swap3A_77 = arith.constant 16 : index
      %swap3A_78 = tpu.vector_load %arg8[%swap3A_76, %swap3A_77] {strides = array<i32>} : memref<128x128xf32, #tpu.memory_space<vmem>>, vector<1x16xf32>,
      %swap3A_79 = vector.shape_cast %swap3A_78 : vector<1x16xf32> to vector<16xf32>
      %swap3A_80 = vector.shape_cast %broadcast_in_dim3A_75 : vector<16xf32> to vector<1x16xf32>
      tpu.vector_store %arg8[%swap3A_76, %swap3A_77], %swap3A_80 {strides = array<i32>} : memref<128x128xf32, #tpu.memory_space<vmem>>, vector<1x16xf32>,
      %broadcast_in_dim3A_81 = arith.constant 0.000000e+00 : f32
      %broadcast_in_dim3A_82 = vector.broadcast %broadcast_in_dim3A_81 : f32 to vector<16xf32>
      %swap3A_83 = arith.index_cast %scan3A_68 : i32 to index
      %swap3A_84 = arith.constant 32 : index
      %swap3A_85 = tpu.vector_load %arg8[%swap3A_83, %swap3A_84] {strides = array<i32>} : memref<128x128xf32, #tpu.memory_space<vmem>>, vector<1x16xf32>,
      %swap3A_86 = vector.shape_cast %swap3A_85 : vector<1x16xf32> to vector<16xf32>
      %swap3A_87 = vector.shape_cast %broadcast_in_dim3A_82 : vector<16xf32> to vector<1x16xf32>
      tpu.vector_store %arg8[%swap3A_83, %swap3A_84], %swap3A_87 {strides = array<i32>} : memref<128x128xf32, #tpu.memory_space<vmem>>, vector<1x16xf32>,
      %broadcast_in_dim3A_88 = arith.constant 0.000000e+00 : f32
      %broadcast_in_dim3A_89 = vector.broadcast %broadcast_in_dim3A_88 : f32 to vector<16xf32>
      %swap3A_90 = arith.index_cast %scan3A_68 : i32 to index
      %swap3A_91 = arith.constant 48 : index
      %swap3A_92 = tpu.vector_load %arg8[%swap3A_90, %swap3A_91] {strides = array<i32>} : memref<128x128xf32, #tpu.memory_space<vmem>>, vector<1x16xf32>,
      %swap3A_93 = vector.shape_cast %swap3A_92 : vector<1x16xf32> to vector<16xf32>
      %swap3A_94 = vector.shape_cast %broadcast_in_dim3A_89 : vector<16xf32> to vector<1x16xf32>
      tpu.vector_store %arg8[%swap3A_90, %swap3A_91], %swap3A_94 {strides = array<i32>} : memref<128x128xf32, #tpu.memory_space<vmem>>, vector<1x16xf32>,
      %broadcast_in_dim3A_95 = arith.constant 0.000000e+00 : f32
      %broadcast_in_dim3A_96 = vector.broadcast %broadcast_in_dim3A_95 : f32 to vector<16xf32>
      %swap3A_97 = arith.index_cast %scan3A_68 : i32 to index
      %swap3A_98 = arith.constant 64 : index
      %swap3A_99 = tpu.vector_load %arg8[%swap3A_97, %swap3A_98] {strides = array<i32>} : memref<128x128xf32, #tpu.memory_space<vmem>>, vector<1x16xf32>,
      %swap3A_100 = vector.shape_cast %swap3A_99 : vector<1x16xf32> to vector<16xf32>
      %swap3A_101 = vector.shape_cast %broadcast_in_dim3A_96 : vector<16xf32> to vector<1x16xf32>
      tpu.vector_store %arg8[%swap3A_97, %swap3A_98], %swap3A_101 {strides = array<i32>} : memref<128x128xf32, #tpu.memory_space<vmem>>, vector<1x16xf32>,
      %broadcast_in_dim3A_102 = arith.constant 0.000000e+00 : f32
      %broadcast_in_dim3A_103 = vector.broadcast %broadcast_in_dim3A_102 : f32 to vector<16xf32>
      %swap3A_104 = arith.index_cast %scan3A_68 : i32 to index
      %swap3A_105 = arith.constant 80 : index
      %swap3A_106 = tpu.vector_load %arg8[%swap3A_104, %swap3A_105] {strides = array<i32>} : memref<128x128xf32, #tpu.memory_space<vmem>>, vector<1x16xf32>,
      %swap3A_107 = vector.shape_cast %swap3A_106 : vector<1x16xf32> to vector<16xf32>
      %swap3A_108 = vector.shape_cast %broadcast_in_dim3A_103 : vector<16xf32> to vector<1x16xf32>
      tpu.vector_store %arg8[%swap3A_104, %swap3A_105], %swap3A_108 {strides = array<i32>} : memref<128x128xf32, #tpu.memory_space<vmem>>, vector<1x16xf32>,
      %broadcast_in_dim3A_109 = arith.constant 0.000000e+00 : f32
      %broadcast_in_dim3A_110 = vector.broadcast %broadcast_in_dim3A_109 : f32 to vector<16xf32>
      %swap3A_111 = arith.index_cast %scan3A_68 : i32 to index
      %swap3A_112 = arith.constant 96 : index
      %swap3A_113 = tpu.vector_load %arg8[%swap3A_111, %swap3A_112] {strides = array<i32>} : memref<128x128xf32, #tpu.memory_space<vmem>>, vector<1x16xf32>,
      %swap3A_114 = vector.shape_cast %swap3A_113 : vector<1x16xf32> to vector<16xf32>
      %swap3A_115 = vector.shape_cast %broadcast_in_dim3A_110 : vector<16xf32> to vector<1x16xf32>
      tpu.vector_store %arg8[%swap3A_111, %swap3A_112], %swap3A_115 {strides = array<i32>} : memref<128x128xf32, #tpu.memory_space<vmem>>, vector<1x16xf32>,
      %broadcast_in_dim3A_116 = arith.constant 0.000000e+00 : f32
      %broadcast_in_dim3A_117 = vector.broadcast %broadcast_in_dim3A_116 : f32 to vector<16xf32>
      %swap3A_118 = arith.index_cast %scan3A_68 : i32 to index
      %swap3A_119 = arith.constant 112 : index
      %swap3A_120 = tpu.vector_load %arg8[%swap3A_118, %swap3A_119] {strides = array<i32>} : memref<128x128xf32, #tpu.memory_space<vmem>>, vector<1x16xf32>,
      %swap3A_121 = vector.shape_cast %swap3A_120 : vector<1x16xf32> to vector<16xf32>
      %swap3A_122 = vector.shape_cast %broadcast_in_dim3A_117 : vector<16xf32> to vector<1x16xf32>
      tpu.vector_store %arg8[%swap3A_118, %swap3A_119], %swap3A_122 {strides = array<i32>} : memref<128x128xf32, #tpu.memory_space<vmem>>, vector<1x16xf32>,
    }
    %scan3A_5 = arith.constant 64 : i32
    %mul3A_6 = arith.constant 64 : i32
    %mul3A_7 = arith.muli %arg1, %mul3A_6 : i32
    "tpu.region"() ({
      %run_scoped3A = tpu.sem_alloc : memref<!tpu.dma_semaphore, #tpu.memory_space<semaphore_mem>>
      %dma_start3A_68 = arith.constant 0 : i32
      %dma_start3A_69 = arith.constant 0 : i32
      %dma_start3A_70 = tpu.memref_slice %arg8[%dma_start3A_68, %dma_start3A_69] : memref<128x128xf32, #tpu.memory_space<vmem>> -> memref<64x128xf32, #tpu.memory_space<vmem>>
      %dma_start3A_71 = arith.constant 0 : i32
      %dma_start3A_72 = tpu.memref_slice %arg16[%mul3A_7, %dma_start3A_71] : memref<1024x128xf32, #tpu.memory_space<vmem_shared>> -> memref<64x128xf32, #tpu.memory_space<vmem_shared>>
      %dma_start3A_73 = arith.constant 0 : i32
      %dma_start3A_74 = tpu.memref_slice %arg16[%mul3A_7, %dma_start3A_73] : memref<1024x128xf32, #tpu.memory_space<vmem_shared>> -> memref<64x128xf32, #tpu.memory_space<vmem_shared>>
      %dma_start3A_75 = arith.constant 0 : i32
      %dma_start3A_76 = arith.constant 0 : i32
      %dma_start3A_77 = tpu.memref_slice %arg8[%dma_start3A_75, %dma_start3A_76] : memref<128x128xf32, #tpu.memory_space<vmem>> -> memref<64x128xf32, #tpu.memory_space<vmem>>
      tpu.enqueue_dma source(%dma_start3A_77 : memref<64x128xf32, #tpu.memory_space<vmem>>) target(%dma_start3A_74 : memref<64x128xf32, #tpu.memory_space<vmem_shared>>) target_semaphore(%run_scoped3A : memref<!tpu.dma_semaphore, #tpu.memory_space<semaphore_mem>>)
      %dma_wait3A_78 = arith.constant 0 : i32
      %dma_wait3A_79 = arith.constant 0 : i32
      %dma_wait3A_80 = tpu.memref_slice %arg8[%dma_wait3A_78, %dma_wait3A_79] : memref<128x128xf32, #tpu.memory_space<vmem>> -> memref<64x128xf32, #tpu.memory_space<vmem>>
      %dma_wait3A_81 = arith.constant 0 : i32
      %dma_wait3A_82 = tpu.memref_slice %arg16[%mul3A_7, %dma_wait3A_81] : memref<1024x128xf32, #tpu.memory_space<vmem_shared>> -> memref<64x128xf32, #tpu.memory_space<vmem_shared>>
      %dma_wait3A_83 = arith.constant 0 : i32
      %dma_wait3A_84 = tpu.memref_slice %arg16[%mul3A_7, %dma_wait3A_83] : memref<1024x128xf32, #tpu.memory_space<vmem_shared>> -> memref<64x128xf32, #tpu.memory_space<vmem_shared>>
      %dma_wait3A_85 = arith.constant 0 : i32
      %dma_wait3A_86 = arith.constant 0 : i32
      %dma_wait3A_87 = tpu.memref_slice %arg8[%dma_wait3A_85, %dma_wait3A_86] : memref<128x128xf32, #tpu.memory_space<vmem>> -> memref<64x128xf32, #tpu.memory_space<vmem>>
      tpu.wait_dma2 semaphore(%run_scoped3A : memref<!tpu.dma_semaphore, #tpu.memory_space<semaphore_mem>>) src(%dma_wait3A_87 : memref<64x128xf32, #tpu.memory_space<vmem>>) dst(%dma_wait3A_84 : memref<64x128xf32, #tpu.memory_space<vmem_shared>>)
      tpu.yield
    }) : () -> ()
    "tpu.region"() ({
      %run_scoped3A = tpu.sem_alloc : memref<!tpu.dma_semaphore, #tpu.memory_space<semaphore_mem>>
      tpu.enqueue_dma source(%arg6 : memref<3x16xf32, #tpu.memory_space<hbm>>) target(%arg15 : memref<3x16xf32, #tpu.memory_space<vmem>>) target_semaphore(%run_scoped3A : memref<!tpu.dma_semaphore, #tpu.memory_space<semaphore_mem>>)
      tpu.wait_dma2 semaphore(%run_scoped3A : memref<!tpu.dma_semaphore, #tpu.memory_space<semaphore_mem>>) src(%arg6 : memref<3x16xf32, #tpu.memory_space<hbm>>) dst(%arg15 : memref<3x16xf32, #tpu.memory_space<vmem>>)
      tpu.yield
    }) : () -> ()
    %mul3A_8 = arith.constant 78 : i32
    %mul3A_9 = arith.muli %add3A, %mul3A_8 : i32
    %min3A = arith.constant 4 : i32
    %min3A_10 = arith.minsi %add3A, %min3A : i32
    %add3A_11 = arith.addi %mul3A_9, %min3A_10 : i32
    %jit3A = arith.constant 8 : i32
    %div3A = arith.divsi %add3A_11, %jit3A : i32
    %sign3A = arith.constant 0 : i32
    %sign3A_12 = arith.cmpi sgt, %add3A_11, %sign3A : i32
    %sign3A_13 = arith.extui %sign3A_12 : i1 to i32
    %sign3A_14 = arith.constant 0 : i32
    %sign3A_15 = arith.cmpi slt, %add3A_11, %sign3A_14 : i32
    %sign3A_16 = arith.extui %sign3A_15 : i1 to i32
    %sign3A_17 = arith.subi %sign3A_13, %sign3A_16 : i32
    %sign3A_18 = arith.constant 0 : i32
    %sign3A_19 = arith.cmpi sgt, %jit3A, %sign3A_18 : i32
    %sign3A_20 = arith.extui %sign3A_19 : i1 to i32
    %sign3A_21 = arith.constant 0 : i32
    %sign3A_22 = arith.cmpi slt, %jit3A, %sign3A_21 : i32
    %sign3A_23 = arith.extui %sign3A_22 : i1 to i32
    %sign3A_24 = arith.subi %sign3A_20, %sign3A_23 : i32
    %ne3A = arith.cmpi ne, %sign3A_17, %sign3A_24 : i32
    %rem3A = arith.remsi %add3A_11, %jit3A : i32
    %ne3A_25 = arith.constant 0 : i32
    %ne3A_26 = arith.cmpi ne, %rem3A, %ne3A_25 : i32
    %and3A = arith.andi %ne3A, %ne3A_26 : i1
    %sub3A = arith.constant 1 : i32
    %sub3A_27 = arith.subi %div3A, %sub3A : i32
    %select_n3A = arith.select %and3A, %sub3A_27, %div3A : i32
    %mul3A_28 = arith.constant 8 : i32
    %mul3A_29 = arith.muli %select_n3A, %mul3A_28 : i32
    %sub3A_30 = arith.subi %add3A_11, %mul3A_29 : i32
    "tpu.region"() ({
      %run_scoped3A = tpu.sem_alloc : memref<!tpu.dma_semaphore, #tpu.memory_space<semaphore_mem>>
      %dma_start3A_68 = arith.constant 0 : i32
      %dma_start3A_69 = tpu.memref_slice %arg5[%mul3A_29, %dma_start3A_68] : memref<2588x128xi32, #tpu.memory_space<hbm>> -> memref<88x128xi32, #tpu.memory_space<hbm>>
      %dma_start3A_70 = arith.constant 0 : i32
      %dma_start3A_71 = tpu.memref_slice %arg5[%mul3A_29, %dma_start3A_70] : memref<2588x128xi32, #tpu.memory_space<hbm>> -> memref<88x128xi32, #tpu.memory_space<hbm>>
      tpu.enqueue_dma source(%dma_start3A_71 : memref<88x128xi32, #tpu.memory_space<hbm>>) target(%arg14 : memref<88x128xi32, #tpu.memory_space<vmem>>) target_semaphore(%run_scoped3A : memref<!tpu.dma_semaphore, #tpu.memory_space<semaphore_mem>>)
      %dma_wait3A_72 = arith.constant 0 : i32
      %dma_wait3A_73 = tpu.memref_slice %arg5[%mul3A_29, %dma_wait3A_72] : memref<2588x128xi32, #tpu.memory_space<hbm>> -> memref<88x128xi32, #tpu.memory_space<hbm>>
      %dma_wait3A_74 = arith.constant 0 : i32
      %dma_wait3A_75 = tpu.memref_slice %arg5[%mul3A_29, %dma_wait3A_74] : memref<2588x128xi32, #tpu.memory_space<hbm>> -> memref<88x128xi32, #tpu.memory_space<hbm>>
      tpu.wait_dma2 semaphore(%run_scoped3A : memref<!tpu.dma_semaphore, #tpu.memory_space<semaphore_mem>>) src(%dma_wait3A_75 : memref<88x128xi32, #tpu.memory_space<hbm>>) dst(%arg14 : memref<88x128xi32, #tpu.memory_space<vmem>>)
      tpu.yield
    }) : () -> ()
    %barrier3A = arith.constant 0 : index
    tpu.barrier barrier_id(%barrier3A)
    %mul3A_31 = arith.constant 128 : i32
    %mul3A_32 = arith.muli %add3A_11, %mul3A_31 : i32
    %dma_start3A = arith.constant 0 : i32
    %dma_start3A_33 = tpu.memref_slice %arg3[%mul3A_32, %dma_start3A] : memref<320000x128xf32, #tpu.memory_space<hbm>> -> memref<128x128xf32, #tpu.memory_space<hbm>>
    %dma_start3A_34 = arith.constant 0 : i32
    %dma_start3A_35 = tpu.memref_slice %arg3[%mul3A_32, %dma_start3A_34] : memref<320000x128xf32, #tpu.memory_space<hbm>> -> memref<128x128xf32, #tpu.memory_space<hbm>>
    tpu.enqueue_dma source(%dma_start3A_35 : memref<128x128xf32, #tpu.memory_space<hbm>>) target(%arg9 : memref<128x128xf32, #tpu.memory_space<vmem>>) target_semaphore(%arg17 : memref<!tpu.dma_semaphore, #tpu.memory_space<semaphore_mem>>)
    %dma_start3A_36 = arith.constant 0 : i32
    %dma_start3A_37 = tpu.memref_slice %arg4[%mul3A_32, %dma_start3A_36] : memref<320000x128xf32, #tpu.memory_space<hbm>> -> memref<128x128xf32, #tpu.memory_space<hbm>>
    %dma_start3A_38 = arith.constant 0 : i32
    %dma_start3A_39 = tpu.memref_slice %arg4[%mul3A_32, %dma_start3A_38] : memref<320000x128xf32, #tpu.memory_space<hbm>> -> memref<128x128xf32, #tpu.memory_space<hbm>>
    tpu.enqueue_dma source(%dma_start3A_39 : memref<128x128xf32, #tpu.memory_space<hbm>>) target(%arg10 : memref<128x128xf32, #tpu.memory_space<vmem>>) target_semaphore(%arg17 : memref<!tpu.dma_semaphore, #tpu.memory_space<semaphore_mem>>)
    %mul3A_40 = arith.constant 128 : i32
    %mul3A_41 = arith.muli %add3A_11, %mul3A_40 : i32
    %dma_start3A_42 = arith.constant 0 : i32
    %dma_start3A_43 = tpu.memref_slice %arg2[%mul3A_41, %dma_start3A_42] : memref<320000x128xf32, #tpu.memory_space<hbm>> -> memref<128x128xf32, #tpu.memory_space<hbm>>
    %dma_start3A_44 = arith.constant 0 : i32
    %dma_start3A_45 = tpu.memref_slice %arg2[%mul3A_41, %dma_start3A_44] : memref<320000x128xf32, #tpu.memory_space<hbm>> -> memref<128x128xf32, #tpu.memory_space<hbm>>
    tpu.enqueue_dma source(%dma_start3A_45 : memref<128x128xf32, #tpu.memory_space<hbm>>) target(%arg8 : memref<128x128xf32, #tpu.memory_space<vmem>>) target_semaphore(%arg17 : memref<!tpu.dma_semaphore, #tpu.memory_space<semaphore_mem>>)
    %scan3A_46 = arith.constant 0 : i32
    %scan3A_47 = arith.constant 0 : i32
    %scan3A_48 = arith.constant 39 : i32
    %scan3A_49 = arith.addi %scan3A_47, %scan3A_48 : i32
    %scan3A_50 = arith.constant 1 : i32
    scf.for %scan3A_68 = %scan3A_47 to %scan3A_49 step %scan3A_50  : i32 {
      %mul3A_69 = arith.constant 2 : i32
      %mul3A_70 = arith.muli %mul3A_69, %scan3A_68 : i32
      %add3A_71 = arith.addi %add3A_11, %mul3A_70 : i32
      %add3A_72 = arith.constant 1 : i32
      %add3A_73 = arith.addi %add3A_71, %add3A_72 : i32
      %mul3A_74 = arith.constant 128 : i32
      %mul3A_75 = arith.muli %add3A_73, %mul3A_74 : i32
      %dma_start3A_76 = arith.constant 0 : i32
      %dma_start3A_77 = tpu.memref_slice %arg3[%mul3A_75, %dma_start3A_76] : memref<320000x128xf32, #tpu.memory_space<hbm>> -> memref<128x128xf32, #tpu.memory_space<hbm>>
      %dma_start3A_78 = arith.constant 0 : i32
      %dma_start3A_79 = tpu.memref_slice %arg3[%mul3A_75, %dma_start3A_78] : memref<320000x128xf32, #tpu.memory_space<hbm>> -> memref<128x128xf32, #tpu.memory_space<hbm>>
      tpu.enqueue_dma source(%dma_start3A_79 : memref<128x128xf32, #tpu.memory_space<hbm>>) target(%arg12 : memref<128x128xf32, #tpu.memory_space<vmem>>) target_semaphore(%arg18 : memref<!tpu.dma_semaphore, #tpu.memory_space<semaphore_mem>>)
      %dma_start3A_80 = arith.constant 0 : i32
      %dma_start3A_81 = tpu.memref_slice %arg4[%mul3A_75, %dma_start3A_80] : memref<320000x128xf32, #tpu.memory_space<hbm>> -> memref<128x128xf32, #tpu.memory_space<hbm>>
      %dma_start3A_82 = arith.constant 0 : i32
      %dma_start3A_83 = tpu.memref_slice %arg4[%mul3A_75, %dma_start3A_82] : memref<320000x128xf32, #tpu.memory_space<hbm>> -> memref<128x128xf32, #tpu.memory_space<hbm>>
      tpu.enqueue_dma source(%dma_start3A_83 : memref<128x128xf32, #tpu.memory_space<hbm>>) target(%arg13 : memref<128x128xf32, #tpu.memory_space<vmem>>) target_semaphore(%arg18 : memref<!tpu.dma_semaphore, #tpu.memory_space<semaphore_mem>>)
      %gt3A = arith.constant 0 : i32
      %gt3A_84 = arith.cmpi sgt, %scan3A_68, %gt3A : i32
      %convert_element_type3A_85 = arith.extui %gt3A_84 : i1 to i32
      %cond3A_86 = arith.constant 0 : i32
      %cond3A_87 = arith.cmpi ne, %convert_element_type3A_85, %cond3A_86 : i32
      scf.if %cond3A_87 {
        %dma_wait3A_198 = arith.constant 0 : i32
        %dma_wait3A_199 = arith.constant 0 : i32
        %dma_wait3A_200 = tpu.memref_slice %arg16[%dma_wait3A_198, %dma_wait3A_199] : memref<1024x128xf32, #tpu.memory_space<vmem_shared>> -> memref<128x128xf32, #tpu.memory_space<vmem_shared>>
        %dma_wait3A_201 = arith.constant 0 : i32
        %dma_wait3A_202 = arith.constant 0 : i32
        %dma_wait3A_203 = tpu.memref_slice %arg16[%dma_wait3A_201, %dma_wait3A_202] : memref<1024x128xf32, #tpu.memory_space<vmem_shared>> -> memref<128x128xf32, #tpu.memory_space<vmem_shared>>
        tpu.wait_dma2 semaphore(%arg20 : memref<!tpu.dma_semaphore, #tpu.memory_space<semaphore_mem>>) src(%arg11 : memref<128x128xf32, #tpu.memory_space<vmem>>) dst(%dma_wait3A_203 : memref<128x128xf32, #tpu.memory_space<vmem_shared>>)
      } else {
      }
      %add3A_88 = arith.constant 1 : i32
      %add3A_89 = arith.addi %add3A_71, %add3A_88 : i32
      %mul3A_90 = arith.constant 128 : i32
      %mul3A_91 = arith.muli %add3A_89, %mul3A_90 : i32
      %dma_start3A_92 = arith.constant 0 : i32
      %dma_start3A_93 = tpu.memref_slice %arg2[%mul3A_91, %dma_start3A_92] : memref<320000x128xf32, #tpu.memory_space<hbm>> -> memref<128x128xf32, #tpu.memory_space<hbm>>
      %dma_start3A_94 = arith.constant 0 : i32
      %dma_start3A_95 = tpu.memref_slice %arg2[%mul3A_91, %dma_start3A_94] : memref<320000x128xf32, #tpu.memory_space<hbm>> -> memref<128x128xf32, #tpu.memory_space<hbm>>
      tpu.enqueue_dma source(%dma_start3A_95 : memref<128x128xf32, #tpu.memory_space<hbm>>) target(%arg11 : memref<128x128xf32, #tpu.memory_space<vmem>>) target_semaphore(%arg18 : memref<!tpu.dma_semaphore, #tpu.memory_space<semaphore_mem>>)
      %dma_wait3A_96 = arith.constant 0 : i32
      %dma_wait3A_97 = arith.constant 0 : i32
      %dma_wait3A_98 = tpu.memref_slice %arg2[%dma_wait3A_96, %dma_wait3A_97] : memref<320000x128xf32, #tpu.memory_space<hbm>> -> memref<128x128xf32, #tpu.memory_space<hbm>>
      %dma_wait3A_99 = arith.constant 0 : i32
      %dma_wait3A_100 = arith.constant 0 : i32
      %dma_wait3A_101 = tpu.memref_slice %arg2[%dma_wait3A_99, %dma_wait3A_100] : memref<320000x128xf32, #tpu.memory_space<hbm>> -> memref<128x128xf32, #tpu.memory_space<hbm>>
      tpu.wait_dma2 semaphore(%arg17 : memref<!tpu.dma_semaphore, #tpu.memory_space<semaphore_mem>>) src(%dma_wait3A_101 : memref<128x128xf32, #tpu.memory_space<hbm>>) dst(%arg8 : memref<128x128xf32, #tpu.memory_space<vmem>>)
      %dma_wait3A_102 = arith.constant 0 : i32
      %dma_wait3A_103 = arith.constant 0 : i32
      %dma_wait3A_104 = tpu.memref_slice %arg3[%dma_wait3A_102, %dma_wait3A_103] : memref<320000x128xf32, #tpu.memory_space<hbm>> -> memref<128x128xf32, #tpu.memory_space<hbm>>
      %dma_wait3A_105 = arith.constant 0 : i32
      %dma_wait3A_106 = arith.constant 0 : i32
      %dma_wait3A_107 = tpu.memref_slice %arg3[%dma_wait3A_105, %dma_wait3A_106] : memref<320000x128xf32, #tpu.memory_space<hbm>> -> memref<128x128xf32, #tpu.memory_space<hbm>>
      tpu.wait_dma2 semaphore(%arg17 : memref<!tpu.dma_semaphore, #tpu.memory_space<semaphore_mem>>) src(%dma_wait3A_107 : memref<128x128xf32, #tpu.memory_space<hbm>>) dst(%arg9 : memref<128x128xf32, #tpu.memory_space<vmem>>)
      %dma_wait3A_108 = arith.constant 0 : i32
      %dma_wait3A_109 = arith.constant 0 : i32
      %dma_wait3A_110 = tpu.memref_slice %arg4[%dma_wait3A_108, %dma_wait3A_109] : memref<320000x128xf32, #tpu.memory_space<hbm>> -> memref<128x128xf32, #tpu.memory_space<hbm>>
      %dma_wait3A_111 = arith.constant 0 : i32
      %dma_wait3A_112 = arith.constant 0 : i32
      %dma_wait3A_113 = tpu.memref_slice %arg4[%dma_wait3A_111, %dma_wait3A_112] : memref<320000x128xf32, #tpu.memory_space<hbm>> -> memref<128x128xf32, #tpu.memory_space<hbm>>
      tpu.wait_dma2 semaphore(%arg17 : memref<!tpu.dma_semaphore, #tpu.memory_space<semaphore_mem>>) src(%dma_wait3A_113 : memref<128x128xf32, #tpu.memory_space<hbm>>) dst(%arg10 : memref<128x128xf32, #tpu.memory_space<vmem>>)
      %get3A = arith.constant 0 : i32
      %get3A_114 = arith.index_cast %get3A : i32 to index
      %get3A_115 = arith.constant 0 : index
      %get3A_116 = tpu.vector_load %arg15[%get3A_114, %get3A_115] {strides = array<i32>} : memref<3x16xf32, #tpu.memory_space<vmem>>, vector<1x16xf32>,
      %get3A_117 = vector.shape_cast %get3A_116 : vector<1x16xf32> to vector<16xf32>
      %get3A_118 = arith.constant 1 : i32
      %get3A_119 = arith.index_cast %get3A_118 : i32 to index
      %get3A_120 = arith.constant 0 : index
      %get3A_121 = tpu.vector_load %arg15[%get3A_119, %get3A_120] {strides = array<i32>} : memref<3x16xf32, #tpu.memory_space<vmem>>, vector<1x16xf32>,
      %get3A_122 = vector.shape_cast %get3A_121 : vector<1x16xf32> to vector<16xf32>
      %get3A_123 = arith.constant 2 : i32
      %get3A_124 = arith.index_cast %get3A_123 : i32 to index
      %get3A_125 = arith.constant 0 : index
      %get3A_126 = tpu.vector_load %arg15[%get3A_124, %get3A_125] {strides = array<i32>} : memref<3x16xf32, #tpu.memory_space<vmem>>, vector<1x16xf32>,
      %get3A_127 = vector.shape_cast %get3A_126 : vector<1x16xf32> to vector<16xf32>
      %scan3A_128 = arith.constant 0 : i32
      %scan3A_129 = arith.constant 0 : i32
      %scan3A_130 = arith.constant 128 : i32
      %scan3A_131 = arith.addi %scan3A_129, %scan3A_130 : i32
      %scan3A_132 = arith.constant 1 : i32
      scf.for %scan3A_198 = %scan3A_129 to %scan3A_131 step %scan3A_132  : i32 {
        %get3A_199 = arith.index_cast %scan3A_198 : i32 to index
        %get3A_200 = arith.constant 0 : index
        %get3A_201 = tpu.vector_load %arg8[%get3A_199, %get3A_200] {strides = array<i32>} : memref<128x128xf32, #tpu.memory_space<vmem>>, vector<1x16xf32>,
        %get3A_202 = vector.shape_cast %get3A_201 : vector<1x16xf32> to vector<16xf32>
        %mul3A_203 = arith.mulf %get3A_202, %get3A_117 : vector<16xf32>
        %get3A_204 = arith.index_cast %scan3A_198 : i32 to index
        %get3A_205 = arith.constant 0 : index
        %get3A_206 = tpu.vector_load %arg9[%get3A_204, %get3A_205] {strides = array<i32>} : memref<128x128xf32, #tpu.memory_space<vmem>>, vector<1x16xf32>,
        %get3A_207 = vector.shape_cast %get3A_206 : vector<1x16xf32> to vector<16xf32>
        %mul3A_208 = arith.mulf %get3A_207, %get3A_122 : vector<16xf32>
        %add3A_209 = arith.addf %mul3A_203, %mul3A_208 : vector<16xf32>
        %get3A_210 = arith.index_cast %scan3A_198 : i32 to index
        %get3A_211 = arith.constant 0 : index
        %get3A_212 = tpu.vector_load %arg10[%get3A_210, %get3A_211] {strides = array<i32>} : memref<128x128xf32, #tpu.memory_space<vmem>>, vector<1x16xf32>,
        %get3A_213 = vector.shape_cast %get3A_212 : vector<1x16xf32> to vector<16xf32>
        %mul3A_214 = arith.mulf %get3A_213, %get3A_127 : vector<16xf32>
        %add3A_215 = arith.addf %add3A_209, %mul3A_214 : vector<16xf32>
        %swap3A = arith.index_cast %scan3A_198 : i32 to index
        %swap3A_216 = arith.constant 0 : index
        %swap3A_217 = tpu.vector_load %arg8[%swap3A, %swap3A_216] {strides = array<i32>} : memref<128x128xf32, #tpu.memory_space<vmem>>, vector<1x16xf32>,
        %swap3A_218 = vector.shape_cast %swap3A_217 : vector<1x16xf32> to vector<16xf32>
        %swap3A_219 = vector.shape_cast %add3A_215 : vector<16xf32> to vector<1x16xf32>
        tpu.vector_store %arg8[%swap3A, %swap3A_216], %swap3A_219 {strides = array<i32>} : memref<128x128xf32, #tpu.memory_space<vmem>>, vector<1x16xf32>,
        %get3A_220 = arith.index_cast %scan3A_198 : i32 to index
        %get3A_221 = arith.constant 16 : index
        %get3A_222 = tpu.vector_load %arg8[%get3A_220, %get3A_221] {strides = array<i32>} : memref<128x128xf32, #tpu.memory_space<vmem>>, vector<1x16xf32>,
        %get3A_223 = vector.shape_cast %get3A_222 : vector<1x16xf32> to vector<16xf32>
        %mul3A_224 = arith.mulf %get3A_223, %get3A_117 : vector<16xf32>
        %get3A_225 = arith.index_cast %scan3A_198 : i32 to index
        %get3A_226 = arith.constant 16 : index
        %get3A_227 = tpu.vector_load %arg9[%get3A_225, %get3A_226] {strides = array<i32>} : memref<128x128xf32, #tpu.memory_space<vmem>>, vector<1x16xf32>,
        %get3A_228 = vector.shape_cast %get3A_227 : vector<1x16xf32> to vector<16xf32>
        %mul3A_229 = arith.mulf %get3A_228, %get3A_122 : vector<16xf32>
        %add3A_230 = arith.addf %mul3A_224, %mul3A_229 : vector<16xf32>
        %get3A_231 = arith.index_cast %scan3A_198 : i32 to index
        %get3A_232 = arith.constant 16 : index
        %get3A_233 = tpu.vector_load %arg10[%get3A_231, %get3A_232] {strides = array<i32>} : memref<128x128xf32, #tpu.memory_space<vmem>>, vector<1x16xf32>,
        %get3A_234 = vector.shape_cast %get3A_233 : vector<1x16xf32> to vector<16xf32>
        %mul3A_235 = arith.mulf %get3A_234, %get3A_127 : vector<16xf32>
        %add3A_236 = arith.addf %add3A_230, %mul3A_235 : vector<16xf32>
        %swap3A_237 = arith.index_cast %scan3A_198 : i32 to index
        %swap3A_238 = arith.constant 16 : index
        %swap3A_239 = tpu.vector_load %arg8[%swap3A_237, %swap3A_238] {strides = array<i32>} : memref<128x128xf32, #tpu.memory_space<vmem>>, vector<1x16xf32>,
        %swap3A_240 = vector.shape_cast %swap3A_239 : vector<1x16xf32> to vector<16xf32>
        %swap3A_241 = vector.shape_cast %add3A_236 : vector<16xf32> to vector<1x16xf32>
        tpu.vector_store %arg8[%swap3A_237, %swap3A_238], %swap3A_241 {strides = array<i32>} : memref<128x128xf32, #tpu.memory_space<vmem>>, vector<1x16xf32>,
        %get3A_242 = arith.index_cast %scan3A_198 : i32 to index
        %get3A_243 = arith.constant 32 : index
        %get3A_244 = tpu.vector_load %arg8[%get3A_242, %get3A_243] {strides = array<i32>} : memref<128x128xf32, #tpu.memory_space<vmem>>, vector<1x16xf32>,
        %get3A_245 = vector.shape_cast %get3A_244 : vector<1x16xf32> to vector<16xf32>
        %mul3A_246 = arith.mulf %get3A_245, %get3A_117 : vector<16xf32>
        %get3A_247 = arith.index_cast %scan3A_198 : i32 to index
        %get3A_248 = arith.constant 32 : index
        %get3A_249 = tpu.vector_load %arg9[%get3A_247, %get3A_248] {strides = array<i32>} : memref<128x128xf32, #tpu.memory_space<vmem>>, vector<1x16xf32>,
        %get3A_250 = vector.shape_cast %get3A_249 : vector<1x16xf32> to vector<16xf32>
        %mul3A_251 = arith.mulf %get3A_250, %get3A_122 : vector<16xf32>
        %add3A_252 = arith.addf %mul3A_246, %mul3A_251 : vector<16xf32>
        %get3A_253 = arith.index_cast %scan3A_198 : i32 to index
        %get3A_254 = arith.constant 32 : index
        %get3A_255 = tpu.vector_load %arg10[%get3A_253, %get3A_254] {strides = array<i32>} : memref<128x128xf32, #tpu.memory_space<vmem>>, vector<1x16xf32>,
        %get3A_256 = vector.shape_cast %get3A_255 : vector<1x16xf32> to vector<16xf32>
        %mul3A_257 = arith.mulf %get3A_256, %get3A_127 : vector<16xf32>
        %add3A_258 = arith.addf %add3A_252, %mul3A_257 : vector<16xf32>
        %swap3A_259 = arith.index_cast %scan3A_198 : i32 to index
        %swap3A_260 = arith.constant 32 : index
        %swap3A_261 = tpu.vector_load %arg8[%swap3A_259, %swap3A_260] {strides = array<i32>} : memref<128x128xf32, #tpu.memory_space<vmem>>, vector<1x16xf32>,
        %swap3A_262 = vector.shape_cast %swap3A_261 : vector<1x16xf32> to vector<16xf32>
        %swap3A_263 = vector.shape_cast %add3A_258 : vector<16xf32> to vector<1x16xf32>
        tpu.vector_store %arg8[%swap3A_259, %swap3A_260], %swap3A_263 {strides = array<i32>} : memref<128x128xf32, #tpu.memory_space<vmem>>, vector<1x16xf32>,
        %get3A_264 = arith.index_cast %scan3A_198 : i32 to index
        %get3A_265 = arith.constant 48 : index
        %get3A_266 = tpu.vector_load %arg8[%get3A_264, %get3A_265] {strides = array<i32>} : memref<128x128xf32, #tpu.memory_space<vmem>>, vector<1x16xf32>,
        %get3A_267 = vector.shape_cast %get3A_266 : vector<1x16xf32> to vector<16xf32>
        %mul3A_268 = arith.mulf %get3A_267, %get3A_117 : vector<16xf32>
        %get3A_269 = arith.index_cast %scan3A_198 : i32 to index
        %get3A_270 = arith.constant 48 : index
        %get3A_271 = tpu.vector_load %arg9[%get3A_269, %get3A_270] {strides = array<i32>} : memref<128x128xf32, #tpu.memory_space<vmem>>, vector<1x16xf32>,
        %get3A_272 = vector.shape_cast %get3A_271 : vector<1x16xf32> to vector<16xf32>
        %mul3A_273 = arith.mulf %get3A_272, %get3A_122 : vector<16xf32>
        %add3A_274 = arith.addf %mul3A_268, %mul3A_273 : vector<16xf32>
        %get3A_275 = arith.index_cast %scan3A_198 : i32 to index
        %get3A_276 = arith.constant 48 : index
        %get3A_277 = tpu.vector_load %arg10[%get3A_275, %get3A_276] {strides = array<i32>} : memref<128x128xf32, #tpu.memory_space<vmem>>, vector<1x16xf32>,
        %get3A_278 = vector.shape_cast %get3A_277 : vector<1x16xf32> to vector<16xf32>
        %mul3A_279 = arith.mulf %get3A_278, %get3A_127 : vector<16xf32>
        %add3A_280 = arith.addf %add3A_274, %mul3A_279 : vector<16xf32>
        %swap3A_281 = arith.index_cast %scan3A_198 : i32 to index
        %swap3A_282 = arith.constant 48 : index
        %swap3A_283 = tpu.vector_load %arg8[%swap3A_281, %swap3A_282] {strides = array<i32>} : memref<128x128xf32, #tpu.memory_space<vmem>>, vector<1x16xf32>,
        %swap3A_284 = vector.shape_cast %swap3A_283 : vector<1x16xf32> to vector<16xf32>
        %swap3A_285 = vector.shape_cast %add3A_280 : vector<16xf32> to vector<1x16xf32>
        tpu.vector_store %arg8[%swap3A_281, %swap3A_282], %swap3A_285 {strides = array<i32>} : memref<128x128xf32, #tpu.memory_space<vmem>>, vector<1x16xf32>,
        %get3A_286 = arith.index_cast %scan3A_198 : i32 to index
        %get3A_287 = arith.constant 64 : index
        %get3A_288 = tpu.vector_load %arg8[%get3A_286, %get3A_287] {strides = array<i32>} : memref<128x128xf32, #tpu.memory_space<vmem>>, vector<1x16xf32>,
        %get3A_289 = vector.shape_cast %get3A_288 : vector<1x16xf32> to vector<16xf32>
        %mul3A_290 = arith.mulf %get3A_289, %get3A_117 : vector<16xf32>
        %get3A_291 = arith.index_cast %scan3A_198 : i32 to index
        %get3A_292 = arith.constant 64 : index
        %get3A_293 = tpu.vector_load %arg9[%get3A_291, %get3A_292] {strides = array<i32>} : memref<128x128xf32, #tpu.memory_space<vmem>>, vector<1x16xf32>,
        %get3A_294 = vector.shape_cast %get3A_293 : vector<1x16xf32> to vector<16xf32>
        %mul3A_295 = arith.mulf %get3A_294, %get3A_122 : vector<16xf32>
        %add3A_296 = arith.addf %mul3A_290, %mul3A_295 : vector<16xf32>
        %get3A_297 = arith.index_cast %scan3A_198 : i32 to index
        %get3A_298 = arith.constant 64 : index
        %get3A_299 = tpu.vector_load %arg10[%get3A_297, %get3A_298] {strides = array<i32>} : memref<128x128xf32, #tpu.memory_space<vmem>>, vector<1x16xf32>,
        %get3A_300 = vector.shape_cast %get3A_299 : vector<1x16xf32> to vector<16xf32>
        %mul3A_301 = arith.mulf %get3A_300, %get3A_127 : vector<16xf32>
        %add3A_302 = arith.addf %add3A_296, %mul3A_301 : vector<16xf32>
        %swap3A_303 = arith.index_cast %scan3A_198 : i32 to index
        %swap3A_304 = arith.constant 64 : index
        %swap3A_305 = tpu.vector_load %arg8[%swap3A_303, %swap3A_304] {strides = array<i32>} : memref<128x128xf32, #tpu.memory_space<vmem>>, vector<1x16xf32>,
        %swap3A_306 = vector.shape_cast %swap3A_305 : vector<1x16xf32> to vector<16xf32>
        %swap3A_307 = vector.shape_cast %add3A_302 : vector<16xf32> to vector<1x16xf32>
        tpu.vector_store %arg8[%swap3A_303, %swap3A_304], %swap3A_307 {strides = array<i32>} : memref<128x128xf32, #tpu.memory_space<vmem>>, vector<1x16xf32>,
        %get3A_308 = arith.index_cast %scan3A_198 : i32 to index
        %get3A_309 = arith.constant 80 : index
        %get3A_310 = tpu.vector_load %arg8[%get3A_308, %get3A_309] {strides = array<i32>} : memref<128x128xf32, #tpu.memory_space<vmem>>, vector<1x16xf32>,
        %get3A_311 = vector.shape_cast %get3A_310 : vector<1x16xf32> to vector<16xf32>
        %mul3A_312 = arith.mulf %get3A_311, %get3A_117 : vector<16xf32>
        %get3A_313 = arith.index_cast %scan3A_198 : i32 to index
        %get3A_314 = arith.constant 80 : index
        %get3A_315 = tpu.vector_load %arg9[%get3A_313, %get3A_314] {strides = array<i32>} : memref<128x128xf32, #tpu.memory_space<vmem>>, vector<1x16xf32>,
        %get3A_316 = vector.shape_cast %get3A_315 : vector<1x16xf32> to vector<16xf32>
        %mul3A_317 = arith.mulf %get3A_316, %get3A_122 : vector<16xf32>
        %add3A_318 = arith.addf %mul3A_312, %mul3A_317 : vector<16xf32>
        %get3A_319 = arith.index_cast %scan3A_198 : i32 to index
        %get3A_320 = arith.constant 80 : index
        %get3A_321 = tpu.vector_load %arg10[%get3A_319, %get3A_320] {strides = array<i32>} : memref<128x128xf32, #tpu.memory_space<vmem>>, vector<1x16xf32>,
        %get3A_322 = vector.shape_cast %get3A_321 : vector<1x16xf32> to vector<16xf32>
        %mul3A_323 = arith.mulf %get3A_322, %get3A_127 : vector<16xf32>
        %add3A_324 = arith.addf %add3A_318, %mul3A_323 : vector<16xf32>
        %swap3A_325 = arith.index_cast %scan3A_198 : i32 to index
        %swap3A_326 = arith.constant 80 : index
        %swap3A_327 = tpu.vector_load %arg8[%swap3A_325, %swap3A_326] {strides = array<i32>} : memref<128x128xf32, #tpu.memory_space<vmem>>, vector<1x16xf32>,
        %swap3A_328 = vector.shape_cast %swap3A_327 : vector<1x16xf32> to vector<16xf32>
        %swap3A_329 = vector.shape_cast %add3A_324 : vector<16xf32> to vector<1x16xf32>
        tpu.vector_store %arg8[%swap3A_325, %swap3A_326], %swap3A_329 {strides = array<i32>} : memref<128x128xf32, #tpu.memory_space<vmem>>, vector<1x16xf32>,
        %get3A_330 = arith.index_cast %scan3A_198 : i32 to index
        %get3A_331 = arith.constant 96 : index
        %get3A_332 = tpu.vector_load %arg8[%get3A_330, %get3A_331] {strides = array<i32>} : memref<128x128xf32, #tpu.memory_space<vmem>>, vector<1x16xf32>,
        %get3A_333 = vector.shape_cast %get3A_332 : vector<1x16xf32> to vector<16xf32>
        %mul3A_334 = arith.mulf %get3A_333, %get3A_117 : vector<16xf32>
        %get3A_335 = arith.index_cast %scan3A_198 : i32 to index
        %get3A_336 = arith.constant 96 : index
        %get3A_337 = tpu.vector_load %arg9[%get3A_335, %get3A_336] {strides = array<i32>} : memref<128x128xf32, #tpu.memory_space<vmem>>, vector<1x16xf32>,
        %get3A_338 = vector.shape_cast %get3A_337 : vector<1x16xf32> to vector<16xf32>
        %mul3A_339 = arith.mulf %get3A_338, %get3A_122 : vector<16xf32>
        %add3A_340 = arith.addf %mul3A_334, %mul3A_339 : vector<16xf32>
        %get3A_341 = arith.index_cast %scan3A_198 : i32 to index
        %get3A_342 = arith.constant 96 : index
        %get3A_343 = tpu.vector_load %arg10[%get3A_341, %get3A_342] {strides = array<i32>} : memref<128x128xf32, #tpu.memory_space<vmem>>, vector<1x16xf32>,
        %get3A_344 = vector.shape_cast %get3A_343 : vector<1x16xf32> to vector<16xf32>
        %mul3A_345 = arith.mulf %get3A_344, %get3A_127 : vector<16xf32>
        %add3A_346 = arith.addf %add3A_340, %mul3A_345 : vector<16xf32>
        %swap3A_347 = arith.index_cast %scan3A_198 : i32 to index
        %swap3A_348 = arith.constant 96 : index
        %swap3A_349 = tpu.vector_load %arg8[%swap3A_347, %swap3A_348] {strides = array<i32>} : memref<128x128xf32, #tpu.memory_space<vmem>>, vector<1x16xf32>,
        %swap3A_350 = vector.shape_cast %swap3A_349 : vector<1x16xf32> to vector<16xf32>
        %swap3A_351 = vector.shape_cast %add3A_346 : vector<16xf32> to vector<1x16xf32>
        tpu.vector_store %arg8[%swap3A_347, %swap3A_348], %swap3A_351 {strides = array<i32>} : memref<128x128xf32, #tpu.memory_space<vmem>>, vector<1x16xf32>,
        %get3A_352 = arith.index_cast %scan3A_198 : i32 to index
        %get3A_353 = arith.constant 112 : index
        %get3A_354 = tpu.vector_load %arg8[%get3A_352, %get3A_353] {strides = array<i32>} : memref<128x128xf32, #tpu.memory_space<vmem>>, vector<1x16xf32>,
        %get3A_355 = vector.shape_cast %get3A_354 : vector<1x16xf32> to vector<16xf32>
        %mul3A_356 = arith.mulf %get3A_355, %get3A_117 : vector<16xf32>
        %get3A_357 = arith.index_cast %scan3A_198 : i32 to index
        %get3A_358 = arith.constant 112 : index
        %get3A_359 = tpu.vector_load %arg9[%get3A_357, %get3A_358] {strides = array<i32>} : memref<128x128xf32, #tpu.memory_space<vmem>>, vector<1x16xf32>,
        %get3A_360 = vector.shape_cast %get3A_359 : vector<1x16xf32> to vector<16xf32>
        %mul3A_361 = arith.mulf %get3A_360, %get3A_122 : vector<16xf32>
        %add3A_362 = arith.addf %mul3A_356, %mul3A_361 : vector<16xf32>
        %get3A_363 = arith.index_cast %scan3A_198 : i32 to index
        %get3A_364 = arith.constant 112 : index
        %get3A_365 = tpu.vector_load %arg10[%get3A_363, %get3A_364] {strides = array<i32>} : memref<128x128xf32, #tpu.memory_space<vmem>>, vector<1x16xf32>,
        %get3A_366 = vector.shape_cast %get3A_365 : vector<1x16xf32> to vector<16xf32>
        %mul3A_367 = arith.mulf %get3A_366, %get3A_127 : vector<16xf32>
        %add3A_368 = arith.addf %add3A_362, %mul3A_367 : vector<16xf32>
        %swap3A_369 = arith.index_cast %scan3A_198 : i32 to index
        %swap3A_370 = arith.constant 112 : index
        %swap3A_371 = tpu.vector_load %arg8[%swap3A_369, %swap3A_370] {strides = array<i32>} : memref<128x128xf32, #tpu.memory_space<vmem>>, vector<1x16xf32>,
        %swap3A_372 = vector.shape_cast %swap3A_371 : vector<1x16xf32> to vector<16xf32>
        %swap3A_373 = vector.shape_cast %add3A_368 : vector<16xf32> to vector<1x16xf32>
        tpu.vector_store %arg8[%swap3A_369, %swap3A_370], %swap3A_373 {strides = array<i32>} : memref<128x128xf32, #tpu.memory_space<vmem>>, vector<1x16xf32>,
      }
      %scan3A_133 = arith.constant 128 : i32
      %mul3A_134 = arith.constant 2 : i32
      %mul3A_135 = arith.muli %mul3A_134, %scan3A_68 : i32
      %add3A_136 = arith.addi %sub3A_30, %mul3A_135 : i32
      %dma_start3A_137 = arith.constant 0 : i32
      %dma_start3A_138 = tpu.memref_slice %arg14[%add3A_136, %dma_start3A_137] : memref<88x128xi32, #tpu.memory_space<vmem>> -> memref<1x128xi32, #tpu.memory_space<vmem>>
      %dma_start3A_139 = tpu.memref_squeeze %dma_start3A_138 : memref<1x128xi32, #tpu.memory_space<vmem>> -> memref<128xi32, #tpu.memory_space<vmem>>
      %dma_start3A_140 = arith.constant 0 : i32
      %dma_start3A_141 = arith.constant 0 : i32
      %dma_start3A_142 = tpu.memref_slice %arg16[%dma_start3A_140, %dma_start3A_141] : memref<1024x128xf32, #tpu.memory_space<vmem_shared>> -> memref<1024x128xf32, #tpu.memory_space<vmem_shared>>
      tpu.enqueue_indirect_dma source(%arg8 : memref<128x128xf32, #tpu.memory_space<vmem>>) target(%dma_start3A_142 : memref<1024x128xf32, #tpu.memory_space<vmem_shared>>) offsets(%dma_start3A_139 : memref<128xi32, #tpu.memory_space<vmem>>) semaphore(%arg19 : memref<!tpu.dma_semaphore, #tpu.memory_space<semaphore_mem>>) {add = true}
      %lt3A_143 = arith.constant 38 : i32
      %lt3A_144 = arith.cmpi slt, %scan3A_68, %lt3A_143 : i32
      %convert_element_type3A_145 = arith.extui %lt3A_144 : i1 to i32
      %cond3A_146 = arith.constant 0 : i32
      %cond3A_147 = arith.cmpi ne, %convert_element_type3A_145, %cond3A_146 : i32
      scf.if %cond3A_147 {
        %add3A_198 = arith.constant 2 : i32
        %add3A_199 = arith.addi %add3A_71, %add3A_198 : i32
        %mul3A_200 = arith.constant 128 : i32
        %mul3A_201 = arith.muli %add3A_199, %mul3A_200 : i32
        %dma_start3A_202 = arith.constant 0 : i32
        %dma_start3A_203 = tpu.memref_slice %arg3[%mul3A_201, %dma_start3A_202] : memref<320000x128xf32, #tpu.memory_space<hbm>> -> memref<128x128xf32, #tpu.memory_space<hbm>>
        %dma_start3A_204 = arith.constant 0 : i32
        %dma_start3A_205 = tpu.memref_slice %arg3[%mul3A_201, %dma_start3A_204] : memref<320000x128xf32, #tpu.memory_space<hbm>> -> memref<128x128xf32, #tpu.memory_space<hbm>>
        tpu.enqueue_dma source(%dma_start3A_205 : memref<128x128xf32, #tpu.memory_space<hbm>>) target(%arg9 : memref<128x128xf32, #tpu.memory_space<vmem>>) target_semaphore(%arg17 : memref<!tpu.dma_semaphore, #tpu.memory_space<semaphore_mem>>)
        %dma_start3A_206 = arith.constant 0 : i32
        %dma_start3A_207 = tpu.memref_slice %arg4[%mul3A_201, %dma_start3A_206] : memref<320000x128xf32, #tpu.memory_space<hbm>> -> memref<128x128xf32, #tpu.memory_space<hbm>>
        %dma_start3A_208 = arith.constant 0 : i32
        %dma_start3A_209 = tpu.memref_slice %arg4[%mul3A_201, %dma_start3A_208] : memref<320000x128xf32, #tpu.memory_space<hbm>> -> memref<128x128xf32, #tpu.memory_space<hbm>>
        tpu.enqueue_dma source(%dma_start3A_209 : memref<128x128xf32, #tpu.memory_space<hbm>>) target(%arg10 : memref<128x128xf32, #tpu.memory_space<vmem>>) target_semaphore(%arg17 : memref<!tpu.dma_semaphore, #tpu.memory_space<semaphore_mem>>)
        %dma_wait3A_210 = arith.constant 0 : i32
        %dma_wait3A_211 = arith.constant 0 : i32
        %dma_wait3A_212 = tpu.memref_slice %arg16[%dma_wait3A_210, %dma_wait3A_211] : memref<1024x128xf32, #tpu.memory_space<vmem_shared>> -> memref<128x128xf32, #tpu.memory_space<vmem_shared>>
        %dma_wait3A_213 = arith.constant 0 : i32
        %dma_wait3A_214 = arith.constant 0 : i32
        %dma_wait3A_215 = tpu.memref_slice %arg16[%dma_wait3A_213, %dma_wait3A_214] : memref<1024x128xf32, #tpu.memory_space<vmem_shared>> -> memref<128x128xf32, #tpu.memory_space<vmem_shared>>
        tpu.wait_dma2 semaphore(%arg19 : memref<!tpu.dma_semaphore, #tpu.memory_space<semaphore_mem>>) src(%arg8 : memref<128x128xf32, #tpu.memory_space<vmem>>) dst(%dma_wait3A_215 : memref<128x128xf32, #tpu.memory_space<vmem_shared>>)
        %add3A_216 = arith.constant 2 : i32
        %add3A_217 = arith.addi %add3A_71, %add3A_216 : i32
        %mul3A_218 = arith.constant 128 : i32
        %mul3A_219 = arith.muli %add3A_217, %mul3A_218 : i32
        %dma_start3A_220 = arith.constant 0 : i32
        %dma_start3A_221 = tpu.memref_slice %arg2[%mul3A_219, %dma_start3A_220] : memref<320000x128xf32, #tpu.memory_space<hbm>> -> memref<128x128xf32, #tpu.memory_space<hbm>>
        %dma_start3A_222 = arith.constant 0 : i32
        %dma_start3A_223 = tpu.memref_slice %arg2[%mul3A_219, %dma_start3A_222] : memref<320000x128xf32, #tpu.memory_space<hbm>> -> memref<128x128xf32, #tpu.memory_space<hbm>>
        tpu.enqueue_dma source(%dma_start3A_223 : memref<128x128xf32, #tpu.memory_space<hbm>>) target(%arg8 : memref<128x128xf32, #tpu.memory_space<vmem>>) target_semaphore(%arg17 : memref<!tpu.dma_semaphore, #tpu.memory_space<semaphore_mem>>)
      } else {
      }
      %dma_wait3A_148 = arith.constant 0 : i32
      %dma_wait3A_149 = arith.constant 0 : i32
      %dma_wait3A_150 = tpu.memref_slice %arg2[%dma_wait3A_148, %dma_wait3A_149] : memref<320000x128xf32, #tpu.memory_space<hbm>> -> memref<128x128xf32, #tpu.memory_space<hbm>>
      %dma_wait3A_151 = arith.constant 0 : i32
      %dma_wait3A_152 = arith.constant 0 : i32
      %dma_wait3A_153 = tpu.memref_slice %arg2[%dma_wait3A_151, %dma_wait3A_152] : memref<320000x128xf32, #tpu.memory_space<hbm>> -> memref<128x128xf32, #tpu.memory_space<hbm>>
      tpu.wait_dma2 semaphore(%arg18 : memref<!tpu.dma_semaphore, #tpu.memory_space<semaphore_mem>>) src(%dma_wait3A_153 : memref<128x128xf32, #tpu.memory_space<hbm>>) dst(%arg11 : memref<128x128xf32, #tpu.memory_space<vmem>>)
      %dma_wait3A_154 = arith.constant 0 : i32
      %dma_wait3A_155 = arith.constant 0 : i32
      %dma_wait3A_156 = tpu.memref_slice %arg3[%dma_wait3A_154, %dma_wait3A_155] : memref<320000x128xf32, #tpu.memory_space<hbm>> -> memref<128x128xf32, #tpu.memory_space<hbm>>
      %dma_wait3A_157 = arith.constant 0 : i32
      %dma_wait3A_158 = arith.constant 0 : i32
      %dma_wait3A_159 = tpu.memref_slice %arg3[%dma_wait3A_157, %dma_wait3A_158] : memref<320000x128xf32, #tpu.memory_space<hbm>> -> memref<128x128xf32, #tpu.memory_space<hbm>>
      tpu.wait_dma2 semaphore(%arg18 : memref<!tpu.dma_semaphore, #tpu.memory_space<semaphore_mem>>) src(%dma_wait3A_159 : memref<128x128xf32, #tpu.memory_space<hbm>>) dst(%arg12 : memref<128x128xf32, #tpu.memory_space<vmem>>)
      %dma_wait3A_160 = arith.constant 0 : i32
      %dma_wait3A_161 = arith.constant 0 : i32
      %dma_wait3A_162 = tpu.memref_slice %arg4[%dma_wait3A_160, %dma_wait3A_161] : memref<320000x128xf32, #tpu.memory_space<hbm>> -> memref<128x128xf32, #tpu.memory_space<hbm>>
      %dma_wait3A_163 = arith.constant 0 : i32
      %dma_wait3A_164 = arith.constant 0 : i32
      %dma_wait3A_165 = tpu.memref_slice %arg4[%dma_wait3A_163, %dma_wait3A_164] : memref<320000x128xf32, #tpu.memory_space<hbm>> -> memref<128x128xf32, #tpu.memory_space<hbm>>
      tpu.wait_dma2 semaphore(%arg18 : memref<!tpu.dma_semaphore, #tpu.memory_space<semaphore_mem>>) src(%dma_wait3A_165 : memref<128x128xf32, #tpu.memory_space<hbm>>) dst(%arg13 : memref<128x128xf32, #tpu.memory_space<vmem>>)
      %get3A_166 = arith.constant 0 : i32
      %get3A_167 = arith.index_cast %get3A_166 : i32 to index
      %get3A_168 = arith.constant 0 : index
      %get3A_169 = tpu.vector_load %arg15[%get3A_167, %get3A_168] {strides = array<i32>} : memref<3x16xf32, #tpu.memory_space<vmem>>, vector<1x16xf32>,
      %get3A_170 = vector.shape_cast %get3A_169 : vector<1x16xf32> to vector<16xf32>
      %get3A_171 = arith.constant 1 : i32
      %get3A_172 = arith.index_cast %get3A_171 : i32 to index
      %get3A_173 = arith.constant 0 : index
      %get3A_174 = tpu.vector_load %arg15[%get3A_172, %get3A_173] {strides = array<i32>} : memref<3x16xf32, #tpu.memory_space<vmem>>, vector<1x16xf32>,
      %get3A_175 = vector.shape_cast %get3A_174 : vector<1x16xf32> to vector<16xf32>
      %get3A_176 = arith.constant 2 : i32
      %get3A_177 = arith.index_cast %get3A_176 : i32 to index
      %get3A_178 = arith.constant 0 : index
      %get3A_179 = tpu.vector_load %arg15[%get3A_177, %get3A_178] {strides = array<i32>} : memref<3x16xf32, #tpu.memory_space<vmem>>, vector<1x16xf32>,
      %get3A_180 = vector.shape_cast %get3A_179 : vector<1x16xf32> to vector<16xf32>
      %scan3A_181 = arith.constant 0 : i32
      %scan3A_182 = arith.constant 0 : i32
      %scan3A_183 = arith.constant 128 : i32
      %scan3A_184 = arith.addi %scan3A_182, %scan3A_183 : i32
      %scan3A_185 = arith.constant 1 : i32
      scf.for %scan3A_198 = %scan3A_182 to %scan3A_184 step %scan3A_185  : i32 {
        %get3A_199 = arith.index_cast %scan3A_198 : i32 to index
        %get3A_200 = arith.constant 0 : index
        %get3A_201 = tpu.vector_load %arg11[%get3A_199, %get3A_200] {strides = array<i32>} : memref<128x128xf32, #tpu.memory_space<vmem>>, vector<1x16xf32>,
        %get3A_202 = vector.shape_cast %get3A_201 : vector<1x16xf32> to vector<16xf32>
        %mul3A_203 = arith.mulf %get3A_202, %get3A_170 : vector<16xf32>
        %get3A_204 = arith.index_cast %scan3A_198 : i32 to index
        %get3A_205 = arith.constant 0 : index
        %get3A_206 = tpu.vector_load %arg12[%get3A_204, %get3A_205] {strides = array<i32>} : memref<128x128xf32, #tpu.memory_space<vmem>>, vector<1x16xf32>,
        %get3A_207 = vector.shape_cast %get3A_206 : vector<1x16xf32> to vector<16xf32>
        %mul3A_208 = arith.mulf %get3A_207, %get3A_175 : vector<16xf32>
        %add3A_209 = arith.addf %mul3A_203, %mul3A_208 : vector<16xf32>
        %get3A_210 = arith.index_cast %scan3A_198 : i32 to index
        %get3A_211 = arith.constant 0 : index
        %get3A_212 = tpu.vector_load %arg13[%get3A_210, %get3A_211] {strides = array<i32>} : memref<128x128xf32, #tpu.memory_space<vmem>>, vector<1x16xf32>,
        %get3A_213 = vector.shape_cast %get3A_212 : vector<1x16xf32> to vector<16xf32>
        %mul3A_214 = arith.mulf %get3A_213, %get3A_180 : vector<16xf32>
        %add3A_215 = arith.addf %add3A_209, %mul3A_214 : vector<16xf32>
        %swap3A = arith.index_cast %scan3A_198 : i32 to index
        %swap3A_216 = arith.constant 0 : index
        %swap3A_217 = tpu.vector_load %arg11[%swap3A, %swap3A_216] {strides = array<i32>} : memref<128x128xf32, #tpu.memory_space<vmem>>, vector<1x16xf32>,
        %swap3A_218 = vector.shape_cast %swap3A_217 : vector<1x16xf32> to vector<16xf32>
        %swap3A_219 = vector.shape_cast %add3A_215 : vector<16xf32> to vector<1x16xf32>
        tpu.vector_store %arg11[%swap3A, %swap3A_216], %swap3A_219 {strides = array<i32>} : memref<128x128xf32, #tpu.memory_space<vmem>>, vector<1x16xf32>,
        %get3A_220 = arith.index_cast %scan3A_198 : i32 to index
        %get3A_221 = arith.constant 16 : index
        %get3A_222 = tpu.vector_load %arg11[%get3A_220, %get3A_221] {strides = array<i32>} : memref<128x128xf32, #tpu.memory_space<vmem>>, vector<1x16xf32>,
        %get3A_223 = vector.shape_cast %get3A_222 : vector<1x16xf32> to vector<16xf32>
        %mul3A_224 = arith.mulf %get3A_223, %get3A_170 : vector<16xf32>
        %get3A_225 = arith.index_cast %scan3A_198 : i32 to index
        %get3A_226 = arith.constant 16 : index
        %get3A_227 = tpu.vector_load %arg12[%get3A_225, %get3A_226] {strides = array<i32>} : memref<128x128xf32, #tpu.memory_space<vmem>>, vector<1x16xf32>,
        %get3A_228 = vector.shape_cast %get3A_227 : vector<1x16xf32> to vector<16xf32>
        %mul3A_229 = arith.mulf %get3A_228, %get3A_175 : vector<16xf32>
        %add3A_230 = arith.addf %mul3A_224, %mul3A_229 : vector<16xf32>
        %get3A_231 = arith.index_cast %scan3A_198 : i32 to index
        %get3A_232 = arith.constant 16 : index
        %get3A_233 = tpu.vector_load %arg13[%get3A_231, %get3A_232] {strides = array<i32>} : memref<128x128xf32, #tpu.memory_space<vmem>>, vector<1x16xf32>,
        %get3A_234 = vector.shape_cast %get3A_233 : vector<1x16xf32> to vector<16xf32>
        %mul3A_235 = arith.mulf %get3A_234, %get3A_180 : vector<16xf32>
        %add3A_236 = arith.addf %add3A_230, %mul3A_235 : vector<16xf32>
        %swap3A_237 = arith.index_cast %scan3A_198 : i32 to index
        %swap3A_238 = arith.constant 16 : index
        %swap3A_239 = tpu.vector_load %arg11[%swap3A_237, %swap3A_238] {strides = array<i32>} : memref<128x128xf32, #tpu.memory_space<vmem>>, vector<1x16xf32>,
        %swap3A_240 = vector.shape_cast %swap3A_239 : vector<1x16xf32> to vector<16xf32>
        %swap3A_241 = vector.shape_cast %add3A_236 : vector<16xf32> to vector<1x16xf32>
        tpu.vector_store %arg11[%swap3A_237, %swap3A_238], %swap3A_241 {strides = array<i32>} : memref<128x128xf32, #tpu.memory_space<vmem>>, vector<1x16xf32>,
        %get3A_242 = arith.index_cast %scan3A_198 : i32 to index
        %get3A_243 = arith.constant 32 : index
        %get3A_244 = tpu.vector_load %arg11[%get3A_242, %get3A_243] {strides = array<i32>} : memref<128x128xf32, #tpu.memory_space<vmem>>, vector<1x16xf32>,
        %get3A_245 = vector.shape_cast %get3A_244 : vector<1x16xf32> to vector<16xf32>
        %mul3A_246 = arith.mulf %get3A_245, %get3A_170 : vector<16xf32>
        %get3A_247 = arith.index_cast %scan3A_198 : i32 to index
        %get3A_248 = arith.constant 32 : index
        %get3A_249 = tpu.vector_load %arg12[%get3A_247, %get3A_248] {strides = array<i32>} : memref<128x128xf32, #tpu.memory_space<vmem>>, vector<1x16xf32>,
        %get3A_250 = vector.shape_cast %get3A_249 : vector<1x16xf32> to vector<16xf32>
        %mul3A_251 = arith.mulf %get3A_250, %get3A_175 : vector<16xf32>
        %add3A_252 = arith.addf %mul3A_246, %mul3A_251 : vector<16xf32>
        %get3A_253 = arith.index_cast %scan3A_198 : i32 to index
        %get3A_254 = arith.constant 32 : index
        %get3A_255 = tpu.vector_load %arg13[%get3A_253, %get3A_254] {strides = array<i32>} : memref<128x128xf32, #tpu.memory_space<vmem>>, vector<1x16xf32>,
        %get3A_256 = vector.shape_cast %get3A_255 : vector<1x16xf32> to vector<16xf32>
        %mul3A_257 = arith.mulf %get3A_256, %get3A_180 : vector<16xf32>
        %add3A_258 = arith.addf %add3A_252, %mul3A_257 : vector<16xf32>
        %swap3A_259 = arith.index_cast %scan3A_198 : i32 to index
        %swap3A_260 = arith.constant 32 : index
        %swap3A_261 = tpu.vector_load %arg11[%swap3A_259, %swap3A_260] {strides = array<i32>} : memref<128x128xf32, #tpu.memory_space<vmem>>, vector<1x16xf32>,
        %swap3A_262 = vector.shape_cast %swap3A_261 : vector<1x16xf32> to vector<16xf32>
        %swap3A_263 = vector.shape_cast %add3A_258 : vector<16xf32> to vector<1x16xf32>
        tpu.vector_store %arg11[%swap3A_259, %swap3A_260], %swap3A_263 {strides = array<i32>} : memref<128x128xf32, #tpu.memory_space<vmem>>, vector<1x16xf32>,
        %get3A_264 = arith.index_cast %scan3A_198 : i32 to index
        %get3A_265 = arith.constant 48 : index
        %get3A_266 = tpu.vector_load %arg11[%get3A_264, %get3A_265] {strides = array<i32>} : memref<128x128xf32, #tpu.memory_space<vmem>>, vector<1x16xf32>,
        %get3A_267 = vector.shape_cast %get3A_266 : vector<1x16xf32> to vector<16xf32>
        %mul3A_268 = arith.mulf %get3A_267, %get3A_170 : vector<16xf32>
        %get3A_269 = arith.index_cast %scan3A_198 : i32 to index
        %get3A_270 = arith.constant 48 : index
        %get3A_271 = tpu.vector_load %arg12[%get3A_269, %get3A_270] {strides = array<i32>} : memref<128x128xf32, #tpu.memory_space<vmem>>, vector<1x16xf32>,
        %get3A_272 = vector.shape_cast %get3A_271 : vector<1x16xf32> to vector<16xf32>
        %mul3A_273 = arith.mulf %get3A_272, %get3A_175 : vector<16xf32>
        %add3A_274 = arith.addf %mul3A_268, %mul3A_273 : vector<16xf32>
        %get3A_275 = arith.index_cast %scan3A_198 : i32 to index
        %get3A_276 = arith.constant 48 : index
        %get3A_277 = tpu.vector_load %arg13[%get3A_275, %get3A_276] {strides = array<i32>} : memref<128x128xf32, #tpu.memory_space<vmem>>, vector<1x16xf32>,
        %get3A_278 = vector.shape_cast %get3A_277 : vector<1x16xf32> to vector<16xf32>
        %mul3A_279 = arith.mulf %get3A_278, %get3A_180 : vector<16xf32>
        %add3A_280 = arith.addf %add3A_274, %mul3A_279 : vector<16xf32>
        %swap3A_281 = arith.index_cast %scan3A_198 : i32 to index
        %swap3A_282 = arith.constant 48 : index
        %swap3A_283 = tpu.vector_load %arg11[%swap3A_281, %swap3A_282] {strides = array<i32>} : memref<128x128xf32, #tpu.memory_space<vmem>>, vector<1x16xf32>,
        %swap3A_284 = vector.shape_cast %swap3A_283 : vector<1x16xf32> to vector<16xf32>
        %swap3A_285 = vector.shape_cast %add3A_280 : vector<16xf32> to vector<1x16xf32>
        tpu.vector_store %arg11[%swap3A_281, %swap3A_282], %swap3A_285 {strides = array<i32>} : memref<128x128xf32, #tpu.memory_space<vmem>>, vector<1x16xf32>,
        %get3A_286 = arith.index_cast %scan3A_198 : i32 to index
        %get3A_287 = arith.constant 64 : index
        %get3A_288 = tpu.vector_load %arg11[%get3A_286, %get3A_287] {strides = array<i32>} : memref<128x128xf32, #tpu.memory_space<vmem>>, vector<1x16xf32>,
        %get3A_289 = vector.shape_cast %get3A_288 : vector<1x16xf32> to vector<16xf32>
        %mul3A_290 = arith.mulf %get3A_289, %get3A_170 : vector<16xf32>
        %get3A_291 = arith.index_cast %scan3A_198 : i32 to index
        %get3A_292 = arith.constant 64 : index
        %get3A_293 = tpu.vector_load %arg12[%get3A_291, %get3A_292] {strides = array<i32>} : memref<128x128xf32, #tpu.memory_space<vmem>>, vector<1x16xf32>,
        %get3A_294 = vector.shape_cast %get3A_293 : vector<1x16xf32> to vector<16xf32>
        %mul3A_295 = arith.mulf %get3A_294, %get3A_175 : vector<16xf32>
        %add3A_296 = arith.addf %mul3A_290, %mul3A_295 : vector<16xf32>
        %get3A_297 = arith.index_cast %scan3A_198 : i32 to index
        %get3A_298 = arith.constant 64 : index
        %get3A_299 = tpu.vector_load %arg13[%get3A_297, %get3A_298] {strides = array<i32>} : memref<128x128xf32, #tpu.memory_space<vmem>>, vector<1x16xf32>,
        %get3A_300 = vector.shape_cast %get3A_299 : vector<1x16xf32> to vector<16xf32>
        %mul3A_301 = arith.mulf %get3A_300, %get3A_180 : vector<16xf32>
        %add3A_302 = arith.addf %add3A_296, %mul3A_301 : vector<16xf32>
        %swap3A_303 = arith.index_cast %scan3A_198 : i32 to index
        %swap3A_304 = arith.constant 64 : index
        %swap3A_305 = tpu.vector_load %arg11[%swap3A_303, %swap3A_304] {strides = array<i32>} : memref<128x128xf32, #tpu.memory_space<vmem>>, vector<1x16xf32>,
        %swap3A_306 = vector.shape_cast %swap3A_305 : vector<1x16xf32> to vector<16xf32>
        %swap3A_307 = vector.shape_cast %add3A_302 : vector<16xf32> to vector<1x16xf32>
        tpu.vector_store %arg11[%swap3A_303, %swap3A_304], %swap3A_307 {strides = array<i32>} : memref<128x128xf32, #tpu.memory_space<vmem>>, vector<1x16xf32>,
        %get3A_308 = arith.index_cast %scan3A_198 : i32 to index
        %get3A_309 = arith.constant 80 : index
        %get3A_310 = tpu.vector_load %arg11[%get3A_308, %get3A_309] {strides = array<i32>} : memref<128x128xf32, #tpu.memory_space<vmem>>, vector<1x16xf32>,
        %get3A_311 = vector.shape_cast %get3A_310 : vector<1x16xf32> to vector<16xf32>
        %mul3A_312 = arith.mulf %get3A_311, %get3A_170 : vector<16xf32>
        %get3A_313 = arith.index_cast %scan3A_198 : i32 to index
        %get3A_314 = arith.constant 80 : index
        %get3A_315 = tpu.vector_load %arg12[%get3A_313, %get3A_314] {strides = array<i32>} : memref<128x128xf32, #tpu.memory_space<vmem>>, vector<1x16xf32>,
        %get3A_316 = vector.shape_cast %get3A_315 : vector<1x16xf32> to vector<16xf32>
        %mul3A_317 = arith.mulf %get3A_316, %get3A_175 : vector<16xf32>
        %add3A_318 = arith.addf %mul3A_312, %mul3A_317 : vector<16xf32>
        %get3A_319 = arith.index_cast %scan3A_198 : i32 to index
        %get3A_320 = arith.constant 80 : index
        %get3A_321 = tpu.vector_load %arg13[%get3A_319, %get3A_320] {strides = array<i32>} : memref<128x128xf32, #tpu.memory_space<vmem>>, vector<1x16xf32>,
        %get3A_322 = vector.shape_cast %get3A_321 : vector<1x16xf32> to vector<16xf32>
        %mul3A_323 = arith.mulf %get3A_322, %get3A_180 : vector<16xf32>
        %add3A_324 = arith.addf %add3A_318, %mul3A_323 : vector<16xf32>
        %swap3A_325 = arith.index_cast %scan3A_198 : i32 to index
        %swap3A_326 = arith.constant 80 : index
        %swap3A_327 = tpu.vector_load %arg11[%swap3A_325, %swap3A_326] {strides = array<i32>} : memref<128x128xf32, #tpu.memory_space<vmem>>, vector<1x16xf32>,
        %swap3A_328 = vector.shape_cast %swap3A_327 : vector<1x16xf32> to vector<16xf32>
        %swap3A_329 = vector.shape_cast %add3A_324 : vector<16xf32> to vector<1x16xf32>
        tpu.vector_store %arg11[%swap3A_325, %swap3A_326], %swap3A_329 {strides = array<i32>} : memref<128x128xf32, #tpu.memory_space<vmem>>, vector<1x16xf32>,
        %get3A_330 = arith.index_cast %scan3A_198 : i32 to index
        %get3A_331 = arith.constant 96 : index
        %get3A_332 = tpu.vector_load %arg11[%get3A_330, %get3A_331] {strides = array<i32>} : memref<128x128xf32, #tpu.memory_space<vmem>>, vector<1x16xf32>,
        %get3A_333 = vector.shape_cast %get3A_332 : vector<1x16xf32> to vector<16xf32>
        %mul3A_334 = arith.mulf %get3A_333, %get3A_170 : vector<16xf32>
        %get3A_335 = arith.index_cast %scan3A_198 : i32 to index
        %get3A_336 = arith.constant 96 : index
        %get3A_337 = tpu.vector_load %arg12[%get3A_335, %get3A_336] {strides = array<i32>} : memref<128x128xf32, #tpu.memory_space<vmem>>, vector<1x16xf32>,
        %get3A_338 = vector.shape_cast %get3A_337 : vector<1x16xf32> to vector<16xf32>
        %mul3A_339 = arith.mulf %get3A_338, %get3A_175 : vector<16xf32>
        %add3A_340 = arith.addf %mul3A_334, %mul3A_339 : vector<16xf32>
        %get3A_341 = arith.index_cast %scan3A_198 : i32 to index
        %get3A_342 = arith.constant 96 : index
        %get3A_343 = tpu.vector_load %arg13[%get3A_341, %get3A_342] {strides = array<i32>} : memref<128x128xf32, #tpu.memory_space<vmem>>, vector<1x16xf32>,
        %get3A_344 = vector.shape_cast %get3A_343 : vector<1x16xf32> to vector<16xf32>
        %mul3A_345 = arith.mulf %get3A_344, %get3A_180 : vector<16xf32>
        %add3A_346 = arith.addf %add3A_340, %mul3A_345 : vector<16xf32>
        %swap3A_347 = arith.index_cast %scan3A_198 : i32 to index
        %swap3A_348 = arith.constant 96 : index
        %swap3A_349 = tpu.vector_load %arg11[%swap3A_347, %swap3A_348] {strides = array<i32>} : memref<128x128xf32, #tpu.memory_space<vmem>>, vector<1x16xf32>,
        %swap3A_350 = vector.shape_cast %swap3A_349 : vector<1x16xf32> to vector<16xf32>
        %swap3A_351 = vector.shape_cast %add3A_346 : vector<16xf32> to vector<1x16xf32>
        tpu.vector_store %arg11[%swap3A_347, %swap3A_348], %swap3A_351 {strides = array<i32>} : memref<128x128xf32, #tpu.memory_space<vmem>>, vector<1x16xf32>,
        %get3A_352 = arith.index_cast %scan3A_198 : i32 to index
        %get3A_353 = arith.constant 112 : index
        %get3A_354 = tpu.vector_load %arg11[%get3A_352, %get3A_353] {strides = array<i32>} : memref<128x128xf32, #tpu.memory_space<vmem>>, vector<1x16xf32>,
        %get3A_355 = vector.shape_cast %get3A_354 : vector<1x16xf32> to vector<16xf32>
        %mul3A_356 = arith.mulf %get3A_355, %get3A_170 : vector<16xf32>
        %get3A_357 = arith.index_cast %scan3A_198 : i32 to index
        %get3A_358 = arith.constant 112 : index
        %get3A_359 = tpu.vector_load %arg12[%get3A_357, %get3A_358] {strides = array<i32>} : memref<128x128xf32, #tpu.memory_space<vmem>>, vector<1x16xf32>,
        %get3A_360 = vector.shape_cast %get3A_359 : vector<1x16xf32> to vector<16xf32>
        %mul3A_361 = arith.mulf %get3A_360, %get3A_175 : vector<16xf32>
        %add3A_362 = arith.addf %mul3A_356, %mul3A_361 : vector<16xf32>
        %get3A_363 = arith.index_cast %scan3A_198 : i32 to index
        %get3A_364 = arith.constant 112 : index
        %get3A_365 = tpu.vector_load %arg13[%get3A_363, %get3A_364] {strides = array<i32>} : memref<128x128xf32, #tpu.memory_space<vmem>>, vector<1x16xf32>,
        %get3A_366 = vector.shape_cast %get3A_365 : vector<1x16xf32> to vector<16xf32>
        %mul3A_367 = arith.mulf %get3A_366, %get3A_180 : vector<16xf32>
        %add3A_368 = arith.addf %add3A_362, %mul3A_367 : vector<16xf32>
        %swap3A_369 = arith.index_cast %scan3A_198 : i32 to index
        %swap3A_370 = arith.constant 112 : index
        %swap3A_371 = tpu.vector_load %arg11[%swap3A_369, %swap3A_370] {strides = array<i32>} : memref<128x128xf32, #tpu.memory_space<vmem>>, vector<1x16xf32>,
        %swap3A_372 = vector.shape_cast %swap3A_371 : vector<1x16xf32> to vector<16xf32>
        %swap3A_373 = vector.shape_cast %add3A_368 : vector<16xf32> to vector<1x16xf32>
        tpu.vector_store %arg11[%swap3A_369, %swap3A_370], %swap3A_373 {strides = array<i32>} : memref<128x128xf32, #tpu.memory_space<vmem>>, vector<1x16xf32>,
      }
      %scan3A_186 = arith.constant 128 : i32
      %mul3A_187 = arith.constant 2 : i32
      %mul3A_188 = arith.muli %mul3A_187, %scan3A_68 : i32
      %add3A_189 = arith.constant 1 : i32
      %add3A_190 = arith.addi %mul3A_188, %add3A_189 : i32
      %add3A_191 = arith.addi %sub3A_30, %add3A_190 : i32
      %dma_start3A_192 = arith.constant 0 : i32
      %dma_start3A_193 = tpu.memref_slice %arg14[%add3A_191, %dma_start3A_192] : memref<88x128xi32, #tpu.memory_space<vmem>> -> memref<1x128xi32, #tpu.memory_space<vmem>>
      %dma_start3A_194 = tpu.memref_squeeze %dma_start3A_193 : memref<1x128xi32, #tpu.memory_space<vmem>> -> memref<128xi32, #tpu.memory_space<vmem>>
      %dma_start3A_195 = arith.constant 0 : i32
      %dma_start3A_196 = arith.constant 0 : i32
      %dma_start3A_197 = tpu.memref_slice %arg16[%dma_start3A_195, %dma_start3A_196] : memref<1024x128xf32, #tpu.memory_space<vmem_shared>> -> memref<1024x128xf32, #tpu.memory_space<vmem_shared>>
      tpu.enqueue_indirect_dma source(%arg11 : memref<128x128xf32, #tpu.memory_space<vmem>>) target(%dma_start3A_197 : memref<1024x128xf32, #tpu.memory_space<vmem_shared>>) offsets(%dma_start3A_194 : memref<128xi32, #tpu.memory_space<vmem>>) semaphore(%arg20 : memref<!tpu.dma_semaphore, #tpu.memory_space<semaphore_mem>>) {add = true}
    }
    %scan3A_51 = arith.constant 39 : i32
    %dma_wait3A = arith.constant 0 : i32
    %dma_wait3A_52 = arith.constant 0 : i32
    %dma_wait3A_53 = tpu.memref_slice %arg16[%dma_wait3A, %dma_wait3A_52] : memref<1024x128xf32, #tpu.memory_space<vmem_shared>> -> memref<128x128xf32, #tpu.memory_space<vmem_shared>>
    %dma_wait3A_54 = arith.constant 0 : i32
    %dma_wait3A_55 = arith.constant 0 : i32
    %dma_wait3A_56 = tpu.memref_slice %arg16[%dma_wait3A_54, %dma_wait3A_55] : memref<1024x128xf32, #tpu.memory_space<vmem_shared>> -> memref<128x128xf32, #tpu.memory_space<vmem_shared>>
    tpu.wait_dma2 semaphore(%arg19 : memref<!tpu.dma_semaphore, #tpu.memory_space<semaphore_mem>>) src(%arg8 : memref<128x128xf32, #tpu.memory_space<vmem>>) dst(%dma_wait3A_56 : memref<128x128xf32, #tpu.memory_space<vmem_shared>>)
    %dma_wait3A_57 = arith.constant 0 : i32
    %dma_wait3A_58 = arith.constant 0 : i32
    %dma_wait3A_59 = tpu.memref_slice %arg16[%dma_wait3A_57, %dma_wait3A_58] : memref<1024x128xf32, #tpu.memory_space<vmem_shared>> -> memref<128x128xf32, #tpu.memory_space<vmem_shared>>
    %dma_wait3A_60 = arith.constant 0 : i32
    %dma_wait3A_61 = arith.constant 0 : i32
    %dma_wait3A_62 = tpu.memref_slice %arg16[%dma_wait3A_60, %dma_wait3A_61] : memref<1024x128xf32, #tpu.memory_space<vmem_shared>> -> memref<128x128xf32, #tpu.memory_space<vmem_shared>>
    tpu.wait_dma2 semaphore(%arg20 : memref<!tpu.dma_semaphore, #tpu.memory_space<semaphore_mem>>) src(%arg11 : memref<128x128xf32, #tpu.memory_space<vmem>>) dst(%dma_wait3A_62 : memref<128x128xf32, #tpu.memory_space<vmem_shared>>)
    %lt3A = arith.constant 4 : i32
    %lt3A_63 = arith.cmpi slt, %add3A, %lt3A : i32
    %convert_element_type3A = arith.extui %lt3A_63 : i1 to i32
    %cond3A = arith.constant 0 : i32
    %cond3A_64 = arith.cmpi ne, %convert_element_type3A, %cond3A : i32
    scf.if %cond3A_64 {
      %add3A_68 = arith.constant 78 : i32
      %add3A_69 = arith.addi %add3A_11, %add3A_68 : i32
      %mul3A_70 = arith.constant 128 : i32
      %mul3A_71 = arith.muli %add3A_69, %mul3A_70 : i32
      %dma_start3A_72 = arith.constant 0 : i32
      %dma_start3A_73 = tpu.memref_slice %arg3[%mul3A_71, %dma_start3A_72] : memref<320000x128xf32, #tpu.memory_space<hbm>> -> memref<128x128xf32, #tpu.memory_space<hbm>>
      %dma_start3A_74 = arith.constant 0 : i32
      %dma_start3A_75 = tpu.memref_slice %arg3[%mul3A_71, %dma_start3A_74] : memref<320000x128xf32, #tpu.memory_space<hbm>> -> memref<128x128xf32, #tpu.memory_space<hbm>>
      tpu.enqueue_dma source(%dma_start3A_75 : memref<128x128xf32, #tpu.memory_space<hbm>>) target(%arg9 : memref<128x128xf32, #tpu.memory_space<vmem>>) target_semaphore(%arg17 : memref<!tpu.dma_semaphore, #tpu.memory_space<semaphore_mem>>)
      %dma_start3A_76 = arith.constant 0 : i32
      %dma_start3A_77 = tpu.memref_slice %arg4[%mul3A_71, %dma_start3A_76] : memref<320000x128xf32, #tpu.memory_space<hbm>> -> memref<128x128xf32, #tpu.memory_space<hbm>>
      %dma_start3A_78 = arith.constant 0 : i32
      %dma_start3A_79 = tpu.memref_slice %arg4[%mul3A_71, %dma_start3A_78] : memref<320000x128xf32, #tpu.memory_space<hbm>> -> memref<128x128xf32, #tpu.memory_space<hbm>>
      tpu.enqueue_dma source(%dma_start3A_79 : memref<128x128xf32, #tpu.memory_space<hbm>>) target(%arg10 : memref<128x128xf32, #tpu.memory_space<vmem>>) target_semaphore(%arg17 : memref<!tpu.dma_semaphore, #tpu.memory_space<semaphore_mem>>)
      %mul3A_80 = arith.constant 128 : i32
      %mul3A_81 = arith.muli %add3A_69, %mul3A_80 : i32
      %dma_start3A_82 = arith.constant 0 : i32
      %dma_start3A_83 = tpu.memref_slice %arg2[%mul3A_81, %dma_start3A_82] : memref<320000x128xf32, #tpu.memory_space<hbm>> -> memref<128x128xf32, #tpu.memory_space<hbm>>
      %dma_start3A_84 = arith.constant 0 : i32
      %dma_start3A_85 = tpu.memref_slice %arg2[%mul3A_81, %dma_start3A_84] : memref<320000x128xf32, #tpu.memory_space<hbm>> -> memref<128x128xf32, #tpu.memory_space<hbm>>
      tpu.enqueue_dma source(%dma_start3A_85 : memref<128x128xf32, #tpu.memory_space<hbm>>) target(%arg8 : memref<128x128xf32, #tpu.memory_space<vmem>>) target_semaphore(%arg17 : memref<!tpu.dma_semaphore, #tpu.memory_space<semaphore_mem>>)
      %dma_wait3A_86 = arith.constant 0 : i32
      %dma_wait3A_87 = arith.constant 0 : i32
      %dma_wait3A_88 = tpu.memref_slice %arg2[%dma_wait3A_86, %dma_wait3A_87] : memref<320000x128xf32, #tpu.memory_space<hbm>> -> memref<128x128xf32, #tpu.memory_space<hbm>>
      %dma_wait3A_89 = arith.constant 0 : i32
      %dma_wait3A_90 = arith.constant 0 : i32
      %dma_wait3A_91 = tpu.memref_slice %arg2[%dma_wait3A_89, %dma_wait3A_90] : memref<320000x128xf32, #tpu.memory_space<hbm>> -> memref<128x128xf32, #tpu.memory_space<hbm>>
      tpu.wait_dma2 semaphore(%arg17 : memref<!tpu.dma_semaphore, #tpu.memory_space<semaphore_mem>>) src(%dma_wait3A_91 : memref<128x128xf32, #tpu.memory_space<hbm>>) dst(%arg8 : memref<128x128xf32, #tpu.memory_space<vmem>>)
      %dma_wait3A_92 = arith.constant 0 : i32
      %dma_wait3A_93 = arith.constant 0 : i32
      %dma_wait3A_94 = tpu.memref_slice %arg3[%dma_wait3A_92, %dma_wait3A_93] : memref<320000x128xf32, #tpu.memory_space<hbm>> -> memref<128x128xf32, #tpu.memory_space<hbm>>
      %dma_wait3A_95 = arith.constant 0 : i32
      %dma_wait3A_96 = arith.constant 0 : i32
      %dma_wait3A_97 = tpu.memref_slice %arg3[%dma_wait3A_95, %dma_wait3A_96] : memref<320000x128xf32, #tpu.memory_space<hbm>> -> memref<128x128xf32, #tpu.memory_space<hbm>>
      tpu.wait_dma2 semaphore(%arg17 : memref<!tpu.dma_semaphore, #tpu.memory_space<semaphore_mem>>) src(%dma_wait3A_97 : memref<128x128xf32, #tpu.memory_space<hbm>>) dst(%arg9 : memref<128x128xf32, #tpu.memory_space<vmem>>)
      %dma_wait3A_98 = arith.constant 0 : i32
      %dma_wait3A_99 = arith.constant 0 : i32
      %dma_wait3A_100 = tpu.memref_slice %arg4[%dma_wait3A_98, %dma_wait3A_99] : memref<320000x128xf32, #tpu.memory_space<hbm>> -> memref<128x128xf32, #tpu.memory_space<hbm>>
      %dma_wait3A_101 = arith.constant 0 : i32
      %dma_wait3A_102 = arith.constant 0 : i32
      %dma_wait3A_103 = tpu.memref_slice %arg4[%dma_wait3A_101, %dma_wait3A_102] : memref<320000x128xf32, #tpu.memory_space<hbm>> -> memref<128x128xf32, #tpu.memory_space<hbm>>
      tpu.wait_dma2 semaphore(%arg17 : memref<!tpu.dma_semaphore, #tpu.memory_space<semaphore_mem>>) src(%dma_wait3A_103 : memref<128x128xf32, #tpu.memory_space<hbm>>) dst(%arg10 : memref<128x128xf32, #tpu.memory_space<vmem>>)
      %get3A = arith.constant 0 : i32
      %get3A_104 = arith.index_cast %get3A : i32 to index
      %get3A_105 = arith.constant 0 : index
      %get3A_106 = tpu.vector_load %arg15[%get3A_104, %get3A_105] {strides = array<i32>} : memref<3x16xf32, #tpu.memory_space<vmem>>, vector<1x16xf32>,
      %get3A_107 = vector.shape_cast %get3A_106 : vector<1x16xf32> to vector<16xf32>
      %get3A_108 = arith.constant 1 : i32
      %get3A_109 = arith.index_cast %get3A_108 : i32 to index
      %get3A_110 = arith.constant 0 : index
      %get3A_111 = tpu.vector_load %arg15[%get3A_109, %get3A_110] {strides = array<i32>} : memref<3x16xf32, #tpu.memory_space<vmem>>, vector<1x16xf32>,
      %get3A_112 = vector.shape_cast %get3A_111 : vector<1x16xf32> to vector<16xf32>
      %get3A_113 = arith.constant 2 : i32
      %get3A_114 = arith.index_cast %get3A_113 : i32 to index
      %get3A_115 = arith.constant 0 : index
      %get3A_116 = tpu.vector_load %arg15[%get3A_114, %get3A_115] {strides = array<i32>} : memref<3x16xf32, #tpu.memory_space<vmem>>, vector<1x16xf32>,
      %get3A_117 = vector.shape_cast %get3A_116 : vector<1x16xf32> to vector<16xf32>
      %scan3A_118 = arith.constant 0 : i32
      %scan3A_119 = arith.constant 0 : i32
      %scan3A_120 = arith.constant 128 : i32
      %scan3A_121 = arith.addi %scan3A_119, %scan3A_120 : i32
      %scan3A_122 = arith.constant 1 : i32
      scf.for %scan3A_138 = %scan3A_119 to %scan3A_121 step %scan3A_122  : i32 {
        %get3A_139 = arith.index_cast %scan3A_138 : i32 to index
        %get3A_140 = arith.constant 0 : index
        %get3A_141 = tpu.vector_load %arg8[%get3A_139, %get3A_140] {strides = array<i32>} : memref<128x128xf32, #tpu.memory_space<vmem>>, vector<1x16xf32>,
        %get3A_142 = vector.shape_cast %get3A_141 : vector<1x16xf32> to vector<16xf32>
        %mul3A_143 = arith.mulf %get3A_142, %get3A_107 : vector<16xf32>
        %get3A_144 = arith.index_cast %scan3A_138 : i32 to index
        %get3A_145 = arith.constant 0 : index
        %get3A_146 = tpu.vector_load %arg9[%get3A_144, %get3A_145] {strides = array<i32>} : memref<128x128xf32, #tpu.memory_space<vmem>>, vector<1x16xf32>,
        %get3A_147 = vector.shape_cast %get3A_146 : vector<1x16xf32> to vector<16xf32>
        %mul3A_148 = arith.mulf %get3A_147, %get3A_112 : vector<16xf32>
        %add3A_149 = arith.addf %mul3A_143, %mul3A_148 : vector<16xf32>
        %get3A_150 = arith.index_cast %scan3A_138 : i32 to index
        %get3A_151 = arith.constant 0 : index
        %get3A_152 = tpu.vector_load %arg10[%get3A_150, %get3A_151] {strides = array<i32>} : memref<128x128xf32, #tpu.memory_space<vmem>>, vector<1x16xf32>,
        %get3A_153 = vector.shape_cast %get3A_152 : vector<1x16xf32> to vector<16xf32>
        %mul3A_154 = arith.mulf %get3A_153, %get3A_117 : vector<16xf32>
        %add3A_155 = arith.addf %add3A_149, %mul3A_154 : vector<16xf32>
        %swap3A = arith.index_cast %scan3A_138 : i32 to index
        %swap3A_156 = arith.constant 0 : index
        %swap3A_157 = tpu.vector_load %arg8[%swap3A, %swap3A_156] {strides = array<i32>} : memref<128x128xf32, #tpu.memory_space<vmem>>, vector<1x16xf32>,
        %swap3A_158 = vector.shape_cast %swap3A_157 : vector<1x16xf32> to vector<16xf32>
        %swap3A_159 = vector.shape_cast %add3A_155 : vector<16xf32> to vector<1x16xf32>
        tpu.vector_store %arg8[%swap3A, %swap3A_156], %swap3A_159 {strides = array<i32>} : memref<128x128xf32, #tpu.memory_space<vmem>>, vector<1x16xf32>,
        %get3A_160 = arith.index_cast %scan3A_138 : i32 to index
        %get3A_161 = arith.constant 16 : index
        %get3A_162 = tpu.vector_load %arg8[%get3A_160, %get3A_161] {strides = array<i32>} : memref<128x128xf32, #tpu.memory_space<vmem>>, vector<1x16xf32>,
        %get3A_163 = vector.shape_cast %get3A_162 : vector<1x16xf32> to vector<16xf32>
        %mul3A_164 = arith.mulf %get3A_163, %get3A_107 : vector<16xf32>
        %get3A_165 = arith.index_cast %scan3A_138 : i32 to index
        %get3A_166 = arith.constant 16 : index
        %get3A_167 = tpu.vector_load %arg9[%get3A_165, %get3A_166] {strides = array<i32>} : memref<128x128xf32, #tpu.memory_space<vmem>>, vector<1x16xf32>,
        %get3A_168 = vector.shape_cast %get3A_167 : vector<1x16xf32> to vector<16xf32>
        %mul3A_169 = arith.mulf %get3A_168, %get3A_112 : vector<16xf32>
        %add3A_170 = arith.addf %mul3A_164, %mul3A_169 : vector<16xf32>
        %get3A_171 = arith.index_cast %scan3A_138 : i32 to index
        %get3A_172 = arith.constant 16 : index
        %get3A_173 = tpu.vector_load %arg10[%get3A_171, %get3A_172] {strides = array<i32>} : memref<128x128xf32, #tpu.memory_space<vmem>>, vector<1x16xf32>,
        %get3A_174 = vector.shape_cast %get3A_173 : vector<1x16xf32> to vector<16xf32>
        %mul3A_175 = arith.mulf %get3A_174, %get3A_117 : vector<16xf32>
        %add3A_176 = arith.addf %add3A_170, %mul3A_175 : vector<16xf32>
        %swap3A_177 = arith.index_cast %scan3A_138 : i32 to index
        %swap3A_178 = arith.constant 16 : index
        %swap3A_179 = tpu.vector_load %arg8[%swap3A_177, %swap3A_178] {strides = array<i32>} : memref<128x128xf32, #tpu.memory_space<vmem>>, vector<1x16xf32>,
        %swap3A_180 = vector.shape_cast %swap3A_179 : vector<1x16xf32> to vector<16xf32>
        %swap3A_181 = vector.shape_cast %add3A_176 : vector<16xf32> to vector<1x16xf32>
        tpu.vector_store %arg8[%swap3A_177, %swap3A_178], %swap3A_181 {strides = array<i32>} : memref<128x128xf32, #tpu.memory_space<vmem>>, vector<1x16xf32>,
        %get3A_182 = arith.index_cast %scan3A_138 : i32 to index
        %get3A_183 = arith.constant 32 : index
        %get3A_184 = tpu.vector_load %arg8[%get3A_182, %get3A_183] {strides = array<i32>} : memref<128x128xf32, #tpu.memory_space<vmem>>, vector<1x16xf32>,
        %get3A_185 = vector.shape_cast %get3A_184 : vector<1x16xf32> to vector<16xf32>
        %mul3A_186 = arith.mulf %get3A_185, %get3A_107 : vector<16xf32>
        %get3A_187 = arith.index_cast %scan3A_138 : i32 to index
        %get3A_188 = arith.constant 32 : index
        %get3A_189 = tpu.vector_load %arg9[%get3A_187, %get3A_188] {strides = array<i32>} : memref<128x128xf32, #tpu.memory_space<vmem>>, vector<1x16xf32>,
        %get3A_190 = vector.shape_cast %get3A_189 : vector<1x16xf32> to vector<16xf32>
        %mul3A_191 = arith.mulf %get3A_190, %get3A_112 : vector<16xf32>
        %add3A_192 = arith.addf %mul3A_186, %mul3A_191 : vector<16xf32>
        %get3A_193 = arith.index_cast %scan3A_138 : i32 to index
        %get3A_194 = arith.constant 32 : index
        %get3A_195 = tpu.vector_load %arg10[%get3A_193, %get3A_194] {strides = array<i32>} : memref<128x128xf32, #tpu.memory_space<vmem>>, vector<1x16xf32>,
        %get3A_196 = vector.shape_cast %get3A_195 : vector<1x16xf32> to vector<16xf32>
        %mul3A_197 = arith.mulf %get3A_196, %get3A_117 : vector<16xf32>
        %add3A_198 = arith.addf %add3A_192, %mul3A_197 : vector<16xf32>
        %swap3A_199 = arith.index_cast %scan3A_138 : i32 to index
        %swap3A_200 = arith.constant 32 : index
        %swap3A_201 = tpu.vector_load %arg8[%swap3A_199, %swap3A_200] {strides = array<i32>} : memref<128x128xf32, #tpu.memory_space<vmem>>, vector<1x16xf32>,
        %swap3A_202 = vector.shape_cast %swap3A_201 : vector<1x16xf32> to vector<16xf32>
        %swap3A_203 = vector.shape_cast %add3A_198 : vector<16xf32> to vector<1x16xf32>
        tpu.vector_store %arg8[%swap3A_199, %swap3A_200], %swap3A_203 {strides = array<i32>} : memref<128x128xf32, #tpu.memory_space<vmem>>, vector<1x16xf32>,
        %get3A_204 = arith.index_cast %scan3A_138 : i32 to index
        %get3A_205 = arith.constant 48 : index
        %get3A_206 = tpu.vector_load %arg8[%get3A_204, %get3A_205] {strides = array<i32>} : memref<128x128xf32, #tpu.memory_space<vmem>>, vector<1x16xf32>,
        %get3A_207 = vector.shape_cast %get3A_206 : vector<1x16xf32> to vector<16xf32>
        %mul3A_208 = arith.mulf %get3A_207, %get3A_107 : vector<16xf32>
        %get3A_209 = arith.index_cast %scan3A_138 : i32 to index
        %get3A_210 = arith.constant 48 : index
        %get3A_211 = tpu.vector_load %arg9[%get3A_209, %get3A_210] {strides = array<i32>} : memref<128x128xf32, #tpu.memory_space<vmem>>, vector<1x16xf32>,
        %get3A_212 = vector.shape_cast %get3A_211 : vector<1x16xf32> to vector<16xf32>
        %mul3A_213 = arith.mulf %get3A_212, %get3A_112 : vector<16xf32>
        %add3A_214 = arith.addf %mul3A_208, %mul3A_213 : vector<16xf32>
        %get3A_215 = arith.index_cast %scan3A_138 : i32 to index
        %get3A_216 = arith.constant 48 : index
        %get3A_217 = tpu.vector_load %arg10[%get3A_215, %get3A_216] {strides = array<i32>} : memref<128x128xf32, #tpu.memory_space<vmem>>, vector<1x16xf32>,
        %get3A_218 = vector.shape_cast %get3A_217 : vector<1x16xf32> to vector<16xf32>
        %mul3A_219 = arith.mulf %get3A_218, %get3A_117 : vector<16xf32>
        %add3A_220 = arith.addf %add3A_214, %mul3A_219 : vector<16xf32>
        %swap3A_221 = arith.index_cast %scan3A_138 : i32 to index
        %swap3A_222 = arith.constant 48 : index
        %swap3A_223 = tpu.vector_load %arg8[%swap3A_221, %swap3A_222] {strides = array<i32>} : memref<128x128xf32, #tpu.memory_space<vmem>>, vector<1x16xf32>,
        %swap3A_224 = vector.shape_cast %swap3A_223 : vector<1x16xf32> to vector<16xf32>
        %swap3A_225 = vector.shape_cast %add3A_220 : vector<16xf32> to vector<1x16xf32>
        tpu.vector_store %arg8[%swap3A_221, %swap3A_222], %swap3A_225 {strides = array<i32>} : memref<128x128xf32, #tpu.memory_space<vmem>>, vector<1x16xf32>,
        %get3A_226 = arith.index_cast %scan3A_138 : i32 to index
        %get3A_227 = arith.constant 64 : index
        %get3A_228 = tpu.vector_load %arg8[%get3A_226, %get3A_227] {strides = array<i32>} : memref<128x128xf32, #tpu.memory_space<vmem>>, vector<1x16xf32>,
        %get3A_229 = vector.shape_cast %get3A_228 : vector<1x16xf32> to vector<16xf32>
        %mul3A_230 = arith.mulf %get3A_229, %get3A_107 : vector<16xf32>
        %get3A_231 = arith.index_cast %scan3A_138 : i32 to index
        %get3A_232 = arith.constant 64 : index
        %get3A_233 = tpu.vector_load %arg9[%get3A_231, %get3A_232] {strides = array<i32>} : memref<128x128xf32, #tpu.memory_space<vmem>>, vector<1x16xf32>,
        %get3A_234 = vector.shape_cast %get3A_233 : vector<1x16xf32> to vector<16xf32>
        %mul3A_235 = arith.mulf %get3A_234, %get3A_112 : vector<16xf32>
        %add3A_236 = arith.addf %mul3A_230, %mul3A_235 : vector<16xf32>
        %get3A_237 = arith.index_cast %scan3A_138 : i32 to index
        %get3A_238 = arith.constant 64 : index
        %get3A_239 = tpu.vector_load %arg10[%get3A_237, %get3A_238] {strides = array<i32>} : memref<128x128xf32, #tpu.memory_space<vmem>>, vector<1x16xf32>,
        %get3A_240 = vector.shape_cast %get3A_239 : vector<1x16xf32> to vector<16xf32>
        %mul3A_241 = arith.mulf %get3A_240, %get3A_117 : vector<16xf32>
        %add3A_242 = arith.addf %add3A_236, %mul3A_241 : vector<16xf32>
        %swap3A_243 = arith.index_cast %scan3A_138 : i32 to index
        %swap3A_244 = arith.constant 64 : index
        %swap3A_245 = tpu.vector_load %arg8[%swap3A_243, %swap3A_244] {strides = array<i32>} : memref<128x128xf32, #tpu.memory_space<vmem>>, vector<1x16xf32>,
        %swap3A_246 = vector.shape_cast %swap3A_245 : vector<1x16xf32> to vector<16xf32>
        %swap3A_247 = vector.shape_cast %add3A_242 : vector<16xf32> to vector<1x16xf32>
        tpu.vector_store %arg8[%swap3A_243, %swap3A_244], %swap3A_247 {strides = array<i32>} : memref<128x128xf32, #tpu.memory_space<vmem>>, vector<1x16xf32>,
        %get3A_248 = arith.index_cast %scan3A_138 : i32 to index
        %get3A_249 = arith.constant 80 : index
        %get3A_250 = tpu.vector_load %arg8[%get3A_248, %get3A_249] {strides = array<i32>} : memref<128x128xf32, #tpu.memory_space<vmem>>, vector<1x16xf32>,
        %get3A_251 = vector.shape_cast %get3A_250 : vector<1x16xf32> to vector<16xf32>
        %mul3A_252 = arith.mulf %get3A_251, %get3A_107 : vector<16xf32>
        %get3A_253 = arith.index_cast %scan3A_138 : i32 to index
        %get3A_254 = arith.constant 80 : index
        %get3A_255 = tpu.vector_load %arg9[%get3A_253, %get3A_254] {strides = array<i32>} : memref<128x128xf32, #tpu.memory_space<vmem>>, vector<1x16xf32>,
        %get3A_256 = vector.shape_cast %get3A_255 : vector<1x16xf32> to vector<16xf32>
        %mul3A_257 = arith.mulf %get3A_256, %get3A_112 : vector<16xf32>
        %add3A_258 = arith.addf %mul3A_252, %mul3A_257 : vector<16xf32>
        %get3A_259 = arith.index_cast %scan3A_138 : i32 to index
        %get3A_260 = arith.constant 80 : index
        %get3A_261 = tpu.vector_load %arg10[%get3A_259, %get3A_260] {strides = array<i32>} : memref<128x128xf32, #tpu.memory_space<vmem>>, vector<1x16xf32>,
        %get3A_262 = vector.shape_cast %get3A_261 : vector<1x16xf32> to vector<16xf32>
        %mul3A_263 = arith.mulf %get3A_262, %get3A_117 : vector<16xf32>
        %add3A_264 = arith.addf %add3A_258, %mul3A_263 : vector<16xf32>
        %swap3A_265 = arith.index_cast %scan3A_138 : i32 to index
        %swap3A_266 = arith.constant 80 : index
        %swap3A_267 = tpu.vector_load %arg8[%swap3A_265, %swap3A_266] {strides = array<i32>} : memref<128x128xf32, #tpu.memory_space<vmem>>, vector<1x16xf32>,
        %swap3A_268 = vector.shape_cast %swap3A_267 : vector<1x16xf32> to vector<16xf32>
        %swap3A_269 = vector.shape_cast %add3A_264 : vector<16xf32> to vector<1x16xf32>
        tpu.vector_store %arg8[%swap3A_265, %swap3A_266], %swap3A_269 {strides = array<i32>} : memref<128x128xf32, #tpu.memory_space<vmem>>, vector<1x16xf32>,
        %get3A_270 = arith.index_cast %scan3A_138 : i32 to index
        %get3A_271 = arith.constant 96 : index
        %get3A_272 = tpu.vector_load %arg8[%get3A_270, %get3A_271] {strides = array<i32>} : memref<128x128xf32, #tpu.memory_space<vmem>>, vector<1x16xf32>,
        %get3A_273 = vector.shape_cast %get3A_272 : vector<1x16xf32> to vector<16xf32>
        %mul3A_274 = arith.mulf %get3A_273, %get3A_107 : vector<16xf32>
        %get3A_275 = arith.index_cast %scan3A_138 : i32 to index
        %get3A_276 = arith.constant 96 : index
        %get3A_277 = tpu.vector_load %arg9[%get3A_275, %get3A_276] {strides = array<i32>} : memref<128x128xf32, #tpu.memory_space<vmem>>, vector<1x16xf32>,
        %get3A_278 = vector.shape_cast %get3A_277 : vector<1x16xf32> to vector<16xf32>
        %mul3A_279 = arith.mulf %get3A_278, %get3A_112 : vector<16xf32>
        %add3A_280 = arith.addf %mul3A_274, %mul3A_279 : vector<16xf32>
        %get3A_281 = arith.index_cast %scan3A_138 : i32 to index
        %get3A_282 = arith.constant 96 : index
        %get3A_283 = tpu.vector_load %arg10[%get3A_281, %get3A_282] {strides = array<i32>} : memref<128x128xf32, #tpu.memory_space<vmem>>, vector<1x16xf32>,
        %get3A_284 = vector.shape_cast %get3A_283 : vector<1x16xf32> to vector<16xf32>
        %mul3A_285 = arith.mulf %get3A_284, %get3A_117 : vector<16xf32>
        %add3A_286 = arith.addf %add3A_280, %mul3A_285 : vector<16xf32>
        %swap3A_287 = arith.index_cast %scan3A_138 : i32 to index
        %swap3A_288 = arith.constant 96 : index
        %swap3A_289 = tpu.vector_load %arg8[%swap3A_287, %swap3A_288] {strides = array<i32>} : memref<128x128xf32, #tpu.memory_space<vmem>>, vector<1x16xf32>,
        %swap3A_290 = vector.shape_cast %swap3A_289 : vector<1x16xf32> to vector<16xf32>
        %swap3A_291 = vector.shape_cast %add3A_286 : vector<16xf32> to vector<1x16xf32>
        tpu.vector_store %arg8[%swap3A_287, %swap3A_288], %swap3A_291 {strides = array<i32>} : memref<128x128xf32, #tpu.memory_space<vmem>>, vector<1x16xf32>,
        %get3A_292 = arith.index_cast %scan3A_138 : i32 to index
        %get3A_293 = arith.constant 112 : index
        %get3A_294 = tpu.vector_load %arg8[%get3A_292, %get3A_293] {strides = array<i32>} : memref<128x128xf32, #tpu.memory_space<vmem>>, vector<1x16xf32>,
        %get3A_295 = vector.shape_cast %get3A_294 : vector<1x16xf32> to vector<16xf32>
        %mul3A_296 = arith.mulf %get3A_295, %get3A_107 : vector<16xf32>
        %get3A_297 = arith.index_cast %scan3A_138 : i32 to index
        %get3A_298 = arith.constant 112 : index
        %get3A_299 = tpu.vector_load %arg9[%get3A_297, %get3A_298] {strides = array<i32>} : memref<128x128xf32, #tpu.memory_space<vmem>>, vector<1x16xf32>,
        %get3A_300 = vector.shape_cast %get3A_299 : vector<1x16xf32> to vector<16xf32>
        %mul3A_301 = arith.mulf %get3A_300, %get3A_112 : vector<16xf32>
        %add3A_302 = arith.addf %mul3A_296, %mul3A_301 : vector<16xf32>
        %get3A_303 = arith.index_cast %scan3A_138 : i32 to index
        %get3A_304 = arith.constant 112 : index
        %get3A_305 = tpu.vector_load %arg10[%get3A_303, %get3A_304] {strides = array<i32>} : memref<128x128xf32, #tpu.memory_space<vmem>>, vector<1x16xf32>,
        %get3A_306 = vector.shape_cast %get3A_305 : vector<1x16xf32> to vector<16xf32>
        %mul3A_307 = arith.mulf %get3A_306, %get3A_117 : vector<16xf32>
        %add3A_308 = arith.addf %add3A_302, %mul3A_307 : vector<16xf32>
        %swap3A_309 = arith.index_cast %scan3A_138 : i32 to index
        %swap3A_310 = arith.constant 112 : index
        %swap3A_311 = tpu.vector_load %arg8[%swap3A_309, %swap3A_310] {strides = array<i32>} : memref<128x128xf32, #tpu.memory_space<vmem>>, vector<1x16xf32>,
        %swap3A_312 = vector.shape_cast %swap3A_311 : vector<1x16xf32> to vector<16xf32>
        %swap3A_313 = vector.shape_cast %add3A_308 : vector<16xf32> to vector<1x16xf32>
        tpu.vector_store %arg8[%swap3A_309, %swap3A_310], %swap3A_313 {strides = array<i32>} : memref<128x128xf32, #tpu.memory_space<vmem>>, vector<1x16xf32>,
      }
      %scan3A_123 = arith.constant 128 : i32
      %add3A_124 = arith.constant 78 : i32
      %add3A_125 = arith.addi %sub3A_30, %add3A_124 : i32
      %dma_start3A_126 = arith.constant 0 : i32
      %dma_start3A_127 = tpu.memref_slice %arg14[%add3A_125, %dma_start3A_126] : memref<88x128xi32, #tpu.memory_space<vmem>> -> memref<1x128xi32, #tpu.memory_space<vmem>>
      %dma_start3A_128 = tpu.memref_squeeze %dma_start3A_127 : memref<1x128xi32, #tpu.memory_space<vmem>> -> memref<128xi32, #tpu.memory_space<vmem>>
      %dma_start3A_129 = arith.constant 0 : i32
      %dma_start3A_130 = arith.constant 0 : i32
      %dma_start3A_131 = tpu.memref_slice %arg16[%dma_start3A_129, %dma_start3A_130] : memref<1024x128xf32, #tpu.memory_space<vmem_shared>> -> memref<1024x128xf32, #tpu.memory_space<vmem_shared>>
      tpu.enqueue_indirect_dma source(%arg8 : memref<128x128xf32, #tpu.memory_space<vmem>>) target(%dma_start3A_131 : memref<1024x128xf32, #tpu.memory_space<vmem_shared>>) offsets(%dma_start3A_128 : memref<128xi32, #tpu.memory_space<vmem>>) semaphore(%arg19 : memref<!tpu.dma_semaphore, #tpu.memory_space<semaphore_mem>>) {add = true}
      %dma_wait3A_132 = arith.constant 0 : i32
      %dma_wait3A_133 = arith.constant 0 : i32
      %dma_wait3A_134 = tpu.memref_slice %arg16[%dma_wait3A_132, %dma_wait3A_133] : memref<1024x128xf32, #tpu.memory_space<vmem_shared>> -> memref<128x128xf32, #tpu.memory_space<vmem_shared>>
      %dma_wait3A_135 = arith.constant 0 : i32
      %dma_wait3A_136 = arith.constant 0 : i32
      %dma_wait3A_137 = tpu.memref_slice %arg16[%dma_wait3A_135, %dma_wait3A_136] : memref<1024x128xf32, #tpu.memory_space<vmem_shared>> -> memref<128x128xf32, #tpu.memory_space<vmem_shared>>
      tpu.wait_dma2 semaphore(%arg19 : memref<!tpu.dma_semaphore, #tpu.memory_space<semaphore_mem>>) src(%arg8 : memref<128x128xf32, #tpu.memory_space<vmem>>) dst(%dma_wait3A_137 : memref<128x128xf32, #tpu.memory_space<vmem_shared>>)
    } else {
    }
    %barrier3A_65 = arith.constant 0 : index
    tpu.barrier barrier_id(%barrier3A_65)
    %mul3A_66 = arith.constant 64 : i32
    %mul3A_67 = arith.muli %arg1, %mul3A_66 : i32
    "tpu.region"() ({
      %run_scoped3A = tpu.sem_alloc : memref<!tpu.dma_semaphore, #tpu.memory_space<semaphore_mem>>
      %dma_start3A_68 = arith.constant 0 : i32
      %dma_start3A_69 = arith.constant 0 : i32
      %dma_start3A_70 = tpu.memref_slice %arg8[%dma_start3A_68, %dma_start3A_69] : memref<128x128xf32, #tpu.memory_space<vmem>> -> memref<64x128xf32, #tpu.memory_space<vmem>>
      %dma_start3A_71 = arith.constant 0 : i32
      %dma_start3A_72 = tpu.memref_slice %arg16[%mul3A_67, %dma_start3A_71] : memref<1024x128xf32, #tpu.memory_space<vmem_shared>> -> memref<64x128xf32, #tpu.memory_space<vmem_shared>>
      %dma_start3A_73 = arith.constant 0 : i32
      %dma_start3A_74 = arith.constant 0 : i32
      %dma_start3A_75 = tpu.memref_slice %arg8[%dma_start3A_73, %dma_start3A_74] : memref<128x128xf32, #tpu.memory_space<vmem>> -> memref<64x128xf32, #tpu.memory_space<vmem>>
      %dma_start3A_76 = arith.constant 0 : i32
      %dma_start3A_77 = tpu.memref_slice %arg16[%mul3A_67, %dma_start3A_76] : memref<1024x128xf32, #tpu.memory_space<vmem_shared>> -> memref<64x128xf32, #tpu.memory_space<vmem_shared>>
      tpu.enqueue_dma source(%dma_start3A_77 : memref<64x128xf32, #tpu.memory_space<vmem_shared>>) target(%dma_start3A_75 : memref<64x128xf32, #tpu.memory_space<vmem>>) target_semaphore(%run_scoped3A : memref<!tpu.dma_semaphore, #tpu.memory_space<semaphore_mem>>)
      %dma_wait3A_78 = arith.constant 0 : i32
      %dma_wait3A_79 = arith.constant 0 : i32
      %dma_wait3A_80 = tpu.memref_slice %arg8[%dma_wait3A_78, %dma_wait3A_79] : memref<128x128xf32, #tpu.memory_space<vmem>> -> memref<64x128xf32, #tpu.memory_space<vmem>>
      %dma_wait3A_81 = arith.constant 0 : i32
      %dma_wait3A_82 = tpu.memref_slice %arg16[%mul3A_67, %dma_wait3A_81] : memref<1024x128xf32, #tpu.memory_space<vmem_shared>> -> memref<64x128xf32, #tpu.memory_space<vmem_shared>>
      %dma_wait3A_83 = arith.constant 0 : i32
      %dma_wait3A_84 = arith.constant 0 : i32
      %dma_wait3A_85 = tpu.memref_slice %arg8[%dma_wait3A_83, %dma_wait3A_84] : memref<128x128xf32, #tpu.memory_space<vmem>> -> memref<64x128xf32, #tpu.memory_space<vmem>>
      %dma_wait3A_86 = arith.constant 0 : i32
      %dma_wait3A_87 = tpu.memref_slice %arg16[%mul3A_67, %dma_wait3A_86] : memref<1024x128xf32, #tpu.memory_space<vmem_shared>> -> memref<64x128xf32, #tpu.memory_space<vmem_shared>>
      tpu.wait_dma2 semaphore(%run_scoped3A : memref<!tpu.dma_semaphore, #tpu.memory_space<semaphore_mem>>) src(%dma_wait3A_87 : memref<64x128xf32, #tpu.memory_space<vmem_shared>>) dst(%dma_wait3A_85 : memref<64x128xf32, #tpu.memory_space<vmem>>)
      tpu.yield
    }) : () -> ()
    "tpu.region"() ({
      %run_scoped3A = tpu.sem_alloc : memref<!tpu.dma_semaphore, #tpu.memory_space<semaphore_mem>>
      %dma_start3A_68 = arith.constant 0 : i32
      %dma_start3A_69 = arith.constant 0 : i32
      %dma_start3A_70 = tpu.memref_slice %arg8[%dma_start3A_68, %dma_start3A_69] : memref<128x128xf32, #tpu.memory_space<vmem>> -> memref<64x128xf32, #tpu.memory_space<vmem>>
      %dma_start3A_71 = arith.constant 0 : i32
      %dma_start3A_72 = arith.constant 0 : i32
      %dma_start3A_73 = tpu.memref_slice %arg7[%arg0, %dma_start3A_71, %dma_start3A_72] : memref<2x1024x128xf32, #tpu.memory_space<hbm>> -> memref<1x1024x128xf32, #tpu.memory_space<hbm>>
      %dma_start3A_74 = tpu.memref_squeeze %dma_start3A_73 : memref<1x1024x128xf32, #tpu.memory_space<hbm>> -> memref<1024x128xf32, #tpu.memory_space<hbm>>
      %dma_start3A_75 = arith.constant 0 : i32
      %dma_start3A_76 = tpu.memref_slice %dma_start3A_74[%mul3A_67, %dma_start3A_75] : memref<1024x128xf32, #tpu.memory_space<hbm>> -> memref<64x128xf32, #tpu.memory_space<hbm>>
      %dma_start3A_77 = arith.constant 0 : i32
      %dma_start3A_78 = arith.constant 0 : i32
      %dma_start3A_79 = tpu.memref_slice %arg7[%arg0, %dma_start3A_77, %dma_start3A_78] : memref<2x1024x128xf32, #tpu.memory_space<hbm>> -> memref<1x1024x128xf32, #tpu.memory_space<hbm>>
      %dma_start3A_80 = tpu.memref_squeeze %dma_start3A_79 : memref<1x1024x128xf32, #tpu.memory_space<hbm>> -> memref<1024x128xf32, #tpu.memory_space<hbm>>
      %dma_start3A_81 = arith.constant 0 : i32
      %dma_start3A_82 = tpu.memref_slice %dma_start3A_80[%mul3A_67, %dma_start3A_81] : memref<1024x128xf32, #tpu.memory_space<hbm>> -> memref<64x128xf32, #tpu.memory_space<hbm>>
      %dma_start3A_83 = arith.constant 0 : i32
      %dma_start3A_84 = arith.constant 0 : i32
      %dma_start3A_85 = tpu.memref_slice %arg8[%dma_start3A_83, %dma_start3A_84] : memref<128x128xf32, #tpu.memory_space<vmem>> -> memref<64x128xf32, #tpu.memory_space<vmem>>
      tpu.enqueue_dma source(%dma_start3A_85 : memref<64x128xf32, #tpu.memory_space<vmem>>) target(%dma_start3A_82 : memref<64x128xf32, #tpu.memory_space<hbm>>) target_semaphore(%run_scoped3A : memref<!tpu.dma_semaphore, #tpu.memory_space<semaphore_mem>>)
      %dma_wait3A_86 = arith.constant 0 : i32
      %dma_wait3A_87 = arith.constant 0 : i32
      %dma_wait3A_88 = tpu.memref_slice %arg8[%dma_wait3A_86, %dma_wait3A_87] : memref<128x128xf32, #tpu.memory_space<vmem>> -> memref<64x128xf32, #tpu.memory_space<vmem>>
      %dma_wait3A_89 = arith.constant 0 : i32
      %dma_wait3A_90 = arith.constant 0 : i32
      %dma_wait3A_91 = tpu.memref_slice %arg7[%arg0, %dma_wait3A_89, %dma_wait3A_90] : memref<2x1024x128xf32, #tpu.memory_space<hbm>> -> memref<1x1024x128xf32, #tpu.memory_space<hbm>>
      %dma_wait3A_92 = tpu.memref_squeeze %dma_wait3A_91 : memref<1x1024x128xf32, #tpu.memory_space<hbm>> -> memref<1024x128xf32, #tpu.memory_space<hbm>>
      %dma_wait3A_93 = arith.constant 0 : i32
      %dma_wait3A_94 = tpu.memref_slice %dma_wait3A_92[%mul3A_67, %dma_wait3A_93] : memref<1024x128xf32, #tpu.memory_space<hbm>> -> memref<64x128xf32, #tpu.memory_space<hbm>>
      %dma_wait3A_95 = arith.constant 0 : i32
      %dma_wait3A_96 = arith.constant 0 : i32
      %dma_wait3A_97 = tpu.memref_slice %arg7[%arg0, %dma_wait3A_95, %dma_wait3A_96] : memref<2x1024x128xf32, #tpu.memory_space<hbm>> -> memref<1x1024x128xf32, #tpu.memory_space<hbm>>
      %dma_wait3A_98 = tpu.memref_squeeze %dma_wait3A_97 : memref<1x1024x128xf32, #tpu.memory_space<hbm>> -> memref<1024x128xf32, #tpu.memory_space<hbm>>
      %dma_wait3A_99 = arith.constant 0 : i32
      %dma_wait3A_100 = tpu.memref_slice %dma_wait3A_98[%mul3A_67, %dma_wait3A_99] : memref<1024x128xf32, #tpu.memory_space<hbm>> -> memref<64x128xf32, #tpu.memory_space<hbm>>
      %dma_wait3A_101 = arith.constant 0 : i32
      %dma_wait3A_102 = arith.constant 0 : i32
      %dma_wait3A_103 = tpu.memref_slice %arg8[%dma_wait3A_101, %dma_wait3A_102] : memref<128x128xf32, #tpu.memory_space<vmem>> -> memref<64x128xf32, #tpu.memory_space<vmem>>
      tpu.wait_dma2 semaphore(%run_scoped3A : memref<!tpu.dma_semaphore, #tpu.memory_space<semaphore_mem>>) src(%dma_wait3A_103 : memref<64x128xf32, #tpu.memory_space<vmem>>) dst(%dma_wait3A_100 : memref<64x128xf32, #tpu.memory_space<hbm>>)
      tpu.yield
    }) : () -> ()
    return
  }
}

module attributes {stable_mosaic.version = 14 : i64} {
  func.func @body(%arg0: memref<2x1024x128xf32, #tpu.memory_space<vmem>>, %arg1: memref<1024x128xf32, #tpu.memory_space<vmem>>) attributes {dimension_semantics = [], scalar_prefetch = 0 : i64, scratch_operands = 0 : i64, tpu.core_type = #tpu.core_type<tc>} {
    %get3A = arith.constant 0 : index
    %get3A_0 = arith.constant 0 : index
    %get3A_1 = arith.constant 0 : index
    %get3A_2 = vector.load %arg0[%get3A, %get3A_0, %get3A_1] : memref<2x1024x128xf32, #tpu.memory_space<vmem>>, vector<1x1024x128xf32>
    %get3A_3 = vector.shape_cast %get3A_2 : vector<1x1024x128xf32> to vector<1024x128xf32>
    %get3A_4 = arith.constant 1 : index
    %get3A_5 = arith.constant 0 : index
    %get3A_6 = arith.constant 0 : index
    %get3A_7 = vector.load %arg0[%get3A_4, %get3A_5, %get3A_6] : memref<2x1024x128xf32, #tpu.memory_space<vmem>>, vector<1x1024x128xf32>
    %get3A_8 = vector.shape_cast %get3A_7 : vector<1x1024x128xf32> to vector<1024x128xf32>
    %add3A = arith.addf %get3A_3, %get3A_8 : vector<1024x128xf32>
    %swap3A = arith.constant 0 : index
    %swap3A_9 = arith.constant 0 : index
    %swap3A_10 = vector.load %arg1[%swap3A, %swap3A_9] : memref<1024x128xf32, #tpu.memory_space<vmem>>, vector<1024x128xf32>
    tpu.vector_store %arg1[%swap3A, %swap3A_9], %add3A {strides = array<i32>} : memref<1024x128xf32, #tpu.memory_space<vmem>>, vector<1024x128xf32>,
    return
  }
}

</mosaic_0001>

<sc_bundles>
// kernel: kernel.4.cloned.1.call-start
scs
__scs_entry_jumppad:
0x0: {  	(pc) =	sbr.rel $0x88, $3  }
0x1: {  	(tag) =	ssettag $0x0;
	lr =	simm.s32 $0x1  }
0x2: {  	[smem:$0x3F9C] =	sst lr;
	_ =	strace $0xD0000000  }
0x3: {  	_ = 	snop  }
0x4: {  	_ = 	snop  }
0x5: {  	_ = 	snop  }
0x6: {  	_ = 	snop  }
0x7: {  	_ = 	snop  }
__scs_overlays_trampoline_lowered:
0x8: {  	[smem:$0x3FAB] =	sst s0  }
0x9: {  	[smem:$0x3FAC] =	sst s1  }
0xa: {  	[smem:$0x3FAD] =	sst s2  }
0xb: {  	[smem:$0x3FAE] =	sst s3  }
0xc: {  	[smem:$0x3FAF] =	sst s4  }
0xd: {  	[smem:$0x3FB0] =	sst s5  }
0xe: {  	[smem:$0x3FB1] =	sst s6  }
0xf: {  	[smem:$0x3FB2] =	sst s7  }
0x10: {  	[smem:$0x3FB3] =	sst s8  }
0x11: {  	[smem:$0x3FB4] =	sst s9;
	s0 =	simm.s32 @!p0 $0x0  }
0x12: {  	s1 =	sld [smem:$0x3F9A];
	s0 =	simm.s32 @p0 $0x1  }
0x13: {  	[smem:$0x3FB5] =	sst s0;
	s0 =	simm.s32 @!p1 $0x0  }
0x14: {  	s2 =	sld [smem:$0x3F99];
	s0 =	simm.s32 @p1 $0x1  }
0x15: {  	[smem:$0x3FB6] =	sst s0;
	s0 =	simm.s32 @!p2 $0x0  }
0x16: {  	s3 =	sld [smem:$0x3FDB];
	s0 =	simm.s32 @p2 $0x1  }
0x17: {  	s4 =	simm.s32 $0x1BF5;
	[smem:$0x3FB8] =	sst s0  }
0x18: {  	s0 =	sld [smem:$0x3F9B];
	_ =	swait.ge [sflag:s4], $0x0  }
0x19: {  	s7 =	sld [smem:$0x3F9C]  }
0x1a: {  	s8 =	sadd.s32 $0xFFFFE003, lr  }
0x1b: {  	s9 =	sadd.s32 $0xFFFFFEF7, lr;
	s5 =	simm.s32 $0xFFFFFFFF;
	p2 =	slt.u32 s8, $0xFFFFF086  }
0x1c: {  	p1 =	slt.u32 s9, $0xF7A;
	s5 =	simm.s32 @!p2 $0x0  }
0x1d: {  	s5 =	simm.s32 @p1 $0x1;
	p0 =	seq.s32 s7, s2  }
0x1e: {  	s7 =	smul.u32 @!p0 $0xF7A, s2;
	p2 =	seq.s32 @!p0 s5, $0x0  }
0x1f: {  	s9 =	smul.u32 $0xF7A, s1;
	s8 =	simm.s32 @!p0 $0x1BF5;
	p2 =	por !p2, p0  }
0x20: {  	[sflag:s8] =	ssyncset.s32 @!p0 $0xFFFFF086;
	s6 =	sadd.s32 @!p0 s3, s7;
	s7 =	simm.s32 @!p0 $0x108  }
0x21: {  	s3 =	sadd.s32 s3, s9;
	s6 =	sadd.s32 @!p0 $0x88, s6;
	s7 =	simm.s32 @p2 $0x1082  }
0x22: {  	[simem:s7], [sflag:s8] =	dma.local @!p0 [hbm:s6], $0xF7A  }
0x23: {  	s9 =	sor.u32 $0xD0000000, s2;
	s6 =	simm.s32 $0x108;
	_ =	swait.ge @!p0 [sflag:s8], $0x0  }
0x24: {  	s3 =	sadd.s32 $0x88, s3;
	s6 =	simm.s32 @!p1 $0x1082;
	[sflag:s4] =	ssyncset.s32 $0xFFFFF086  }
0x25: {  	[simem:s6], [sflag:s4] =	dma.local [hbm:s3], $0xF7A  }
0x26: {  	[smem:$0x3F9C] =	sst s1;
	(tag) =	ssettag s2;
	_ =	strace s9  }
0x27: {  	s1 =	sld [smem:$0x3FAC]  }
0x28: {  	s2 =	sld [smem:$0x3FAD]  }
0x29: {  	s4 =	sld [smem:$0x3FAF]  }
0x2a: {  	p0 =	seq.s32 s5, $0x0;
	s5 =	sld [smem:$0x3FB0]  }
0x2b: {  	s6 =	sld [smem:$0x3FB1]  }
0x2c: {  	s7 =	sld [smem:$0x3FB2]  }
0x2d: {  	s3 =	simm.s32 $0x108;
	s8 =	sld [smem:$0x3FB3]  }
0x2e: {  	s3 =	simm.s32 @!p0 $0x1082;
	s9 =	sld [smem:$0x3FB4]  }
0x2f: {  	lr =	sadd.s32 s0, s3;
	s0 =	sld [smem:$0x3FAB]  }
0x30: {  	s3 =	sld [smem:$0x3FAE]  }
0x31: {  	[smem:$0x3FB7] =	sst s10  }
0x32: {  	s10 =	sld [smem:$0x3FB5];
	_ =	sdelay $0x3  }
0x33: {  	p0 =	seq.s32 s10, $0x1;
	s10 =	sld [smem:$0x3FB7];
	_ =	sdelay $0x3  }
0x34: {  	[smem:$0x3FB7] =	sst s10  }
0x35: {  	s10 =	sld [smem:$0x3FB6];
	_ =	sdelay $0x3  }
0x36: {  	p1 =	seq.s32 s10, $0x1;
	s10 =	sld [smem:$0x3FB7];
	_ =	sdelay $0x3  }
0x37: {  	[smem:$0x3FB7] =	sst s10  }
0x38: {  	s10 =	sld [smem:$0x3FB8]  }
0x39: {  	_ = 	snop;
	(pc) =	sbr.ind lr, $3  }
0x3a: {  	_ = 	snop  }
0x3b: {  	_ = 	snop  }
0x3c: {  	p2 =	seq.s32 s10, $0x1;
	s10 =	sld [smem:$0x3FB7]  }
0x3d: {  	_ =	shalt  }
0x3e: {  	_ =	shalt  }
0x3f: {  	_ =	shalt  }
0x40: {  	_ =	shalt  }
0x41: {  	_ =	shalt  }
0x42: {  	_ =	shalt  }
0x43: {  	_ =	shalt  }
0x44: {  	_ =	shalt  }
0x45: {  	_ =	shalt  }
0x46: {  	_ =	shalt  }
0x47: {  	_ =	shalt  }
0x48: {  	_ =	shalt  }
0x49: {  	_ =	shalt  }
0x4a: {  	_ =	shalt  }
0x4b: {  	_ =	shalt  }
0x4c: {  	_ =	shalt  }
0x4d: {  	_ =	shalt  }
0x4e: {  	_ =	shalt  }
0x4f: {  	_ =	shalt  }
0x50: {  	_ =	shalt  }
0x51: {  	_ =	shalt  }
0x52: {  	_ =	shalt  }
0x53: {  	_ =	shalt  }
0x54: {  	_ =	shalt  }
0x55: {  	_ =	shalt  }
0x56: {  	_ =	shalt  }
0x57: {  	_ =	shalt  }
0x58: {  	_ =	shalt  }
0x59: {  	_ =	shalt  }
0x5a: {  	_ =	shalt  }
0x5b: {  	_ =	shalt  }
0x5c: {  	_ =	shalt  }
0x5d: {  	_ =	shalt  }
0x5e: {  	_ =	shalt  }
0x5f: {  	_ =	shalt  }
0x60: {  	_ =	shalt  }
0x61: {  	_ =	shalt  }
0x62: {  	_ =	shalt  }
0x63: {  	_ =	shalt  }
0x64: {  	_ =	shalt  }
0x65: {  	_ =	shalt  }
0x66: {  	_ =	shalt  }
0x67: {  	_ =	shalt  }
0x68: {  	_ =	shalt  }
0x69: {  	_ =	shalt  }
0x6a: {  	_ =	shalt  }
0x6b: {  	_ =	shalt  }
0x6c: {  	_ =	shalt  }
0x6d: {  	_ =	shalt  }
0x6e: {  	_ =	shalt  }
0x6f: {  	_ =	shalt  }
0x70: {  	_ =	shalt  }
0x71: {  	_ =	shalt  }
0x72: {  	_ =	shalt  }
0x73: {  	_ =	shalt  }
0x74: {  	_ =	shalt  }
0x75: {  	_ =	shalt  }
0x76: {  	_ =	shalt  }
0x77: {  	_ =	shalt  }
0x78: {  	_ =	shalt  }
0x79: {  	_ =	shalt  }
0x7a: {  	_ =	shalt  }
0x7b: {  	_ =	shalt  }
0x7c: {  	_ =	shalt  }
0x7d: {  	_ =	shalt  }
0x7e: {  	_ =	shalt  }
0x7f: {  	_ =	shalt  }
0x80: {  	_ =	shalt  }
0x81: {  	_ =	shalt  }
0x82: {  	_ =	shalt  }
0x83: {  	_ =	shalt  }
0x84: {  	_ =	shalt  }
0x85: {  	_ =	shalt  }
0x86: {  	_ =	shalt  }
0x87: {  	_ =	shalt  }
.Lfunc_end0:
.L_simem_size_0:
called_computation_lowered:
.L_overlay_start_0:
0x88: {  	s2 =	sld [smem:$0x3FD9]  }
0x89: {  	s3 =	sld [smem:$0x3FFE];
	_ =	sdelay $0x1  }
0x8a: {  	s1 =	srdreg.scid  }
0x8b: {  	s0 =	sand.u32 $0x1, s1  }
0x8c: {  	s17 =	sshll.u32 s0, $0xA;
	s2 =	sadd.s32 s3, s2  }
0x8d: {  	s2 =	sadd.s32 s2, s17  }
0x8e: {  	[smem:$0x3FC3] =	sst s2  }
0x8f: {  	_ = 	snop  }
0x90: {  	s2 =	sld [smem:$0x3FC9]  }
0x91: {  	s18 =	sld [smem:$0x3FC8]  }
0x92: {  	s4 =	sld [smem:$0x3FC7]  }
0x93: {  	s5 =	sld [smem:$0x3FD0];
	(tm) =	ssettm $0x1  }
0x94: {  	s6 =	sld [smem:$0x3FFB];
	_ =	sdelay $0x3  }
0x95: {  	_ =	strace s6  }
0x96: {  	s6 =	sld [smem:$0x3FFC];
	_ =	sdelay $0x3  }
0x97: {  	_ =	strace s6  }
0x98: {  	s6 =	sld [smem:$0x3FFD];
	_ =	sdelay $0x3  }
0x99: {  	_ =	strace s6  }
0x9a: {  	_ =	strace $0x8FFFFFFF  }
0x9b: {  	s19 =	sld [smem:$0x3FDB];
	_ =	sdelay $0x1  }
0x9c: {  	s7 =	simm.s32 $_scs_section_size  }
0x9d: {  	s8 =	simm.s32 $_size__tile_overlayer_lowered;
	s9 =	simm.s32 $_tile_overlayer_lowered  }
0x9e: {  	s22 =	simm.s32 $0x1BFF;
	s21 =	sshll.u32 s9, $0x1;
	s6 =	sadd.s32 s7, s19  }
0x9f: {  	s10 =	simm.s32 $0x0;
	s20 =	sshll.u32 s8, $0x1;
	s8 =	sadd.s32 s21, s6  }
0xa0: {  	[timem:s10], [sflag:s22] =	dma.local [hbm:s8], s20  }
0xa1: {  	_ =	swait.ge [sflag:s22], s20  }
0xa2: {  	s7 =	ssub.s32 $0x0, s20;
	[sflag:s22] =	ssyncset.done $0x0  }
0xa3: {  	[sflag:s22] =	ssyncadd.s32 s7;
	_ =	sdelay $0x1  }
0xa4: {  	s23 =	simm.s32 $0x1B8B  }
0xa5: {  	_ =	swait.ge [sflag:s23], $0x1  }
0xa6: {  	[sflag:s23] =	ssyncset.done $0x0  }
0xa7: {  	s25 =	simm.s32 $0x1B8E;
	s24 =	sld [smem:$0x3FFE];
	[sflag:s23] =	ssyncadd.s32 $0xFFFFFFFF  }
0xa8: {  	s26 =	simm.s32 $execute0_lowered;
	[smem:$0x3FD2] =	sst s25  }
0xa9: {  	s8 =	sshll.u32 s26, $0x1;
	_ =	strace $0x80000046;
	[dreg:$0x1] =	wrdreg $0xFFFFFFFF  }
0xaa: {  	s28 =	simm.s32 $_size_execute0_lowered;
	s6 =	sadd.s32 s6, s8;
	[dreg:$0x0] =	wrdreg $0x0  }
0xab: {  	s8 =	sshll.u32 s28, $0x1;
	[dreg:$0x2] =	wrdreg s6  }
0xac: {  	[dreg:$0x3] =	wrdreg s8  }
0xad: {  	[dreg:$0x4] =	wrdreg $0xC0  }
0xae: {  	_ =	task [dreg:s10], $0x5FFFF  }
0xaf: {  	[dreg:$0x1] =	wrdreg $0xFFFFFFFF  }
0xb0: {  	[dreg:$0x0] =	wrdreg $0x60  }
0xb1: {  	[dreg:$0x2] =	wrdreg s2  }
0xb2: {  	[dreg:$0x3] =	wrdreg s18  }
0xb3: {  	[dreg:$0x4] =	wrdreg s4  }
0xb4: {  	[dreg:$0x5] =	wrdreg s24  }
0xb5: {  	[dreg:$0x6] =	wrdreg s5  }
0xb6: {  	[dreg:$0x7] =	wrdreg $0x1AE000  }
0xb7: {  	[dreg:$0x8] =	wrdreg $0x9  }
0xb8: {  	_ =	task.clear_ibuf [dreg:s10], $0x9FFFF;
	_ =	strace $0x90000046  }
0xb9: {  	s29 =	simm.s32 $0x9;
	_ =	strace $0x80000048  }
0xba: {  	_ =	swait.ge [sflag:s29], $0x1  }
0xbb: {  	[sflag:s29] =	ssyncadd.s32 $0xFFFFFFFF  }
0xbc: {  	_ =	strace $0x90000048  }
0xbd: {  	_ =	sfence  }
0xbe: {  	s30 =	sld [smem:$0x0];
	_ =	sdelay $0x2  }
0xbf: {  	s31 =	sshll.u32 s1, $0xD;
	s1 =	sshrl.u32 s1, $0x2  }
0xc0: {  	s3 =	sand.u32 $0x4000, s31;
	s1 =	sadd.s32 s1, s30  }
0xc1: {  	s0 =	sor.u32 s3, s0;
	s1 =	sshll.u32 s1, $0x11  }
0xc2: {  	s0 =	sor.u32 s1, s0  }
0xc3: {  	s0 =	sadd.s32 $0x8F2B, s0  }
0xc4: {  	[sflag:s0] =	ssyncadd.remote.s32 $0x1  }
0xc5: {  	_ =	sfence.sel $0xFFFF  }
0xc6: {  	[dreg:$0x0] =	wrdreg $0xFFFFFFFF;
	(pc) =	sbr.abs _section_cstart, $3  }
0xc7: {  	[dreg:$0x1] =	wrdreg $0xFFFFFFFF  }
0xc8: {  	_ =	task.clear_ibuf [dreg:s10], $0x2FFFF;
	_ =	strace $0x9FFFFFFF  }
0xc9: {  	(tm) =	ssettm $0x7FFFFFFF  }
tec
execute0_lowered:
.L_overlay_start_1:
0x0: {  	(tag) =	ssettag $0x1  }
0x1: {  	s1 =	rddreg [dreg:$0x0]  }
0x2: {  	s2 =	rddreg [dreg:$0x1]  }
0x3: {  	s0 =	srdreg.scid;
	s3 =	rddreg [dreg:$0x2]  }
0x4: {  	s11 =	stileid.u32;
	s5 =	rddreg [dreg:$0x3]  }
0x5: {  	s6 =	rddreg [dreg:$0x5];
	s7 =	simm.s32 $0x0;
	s28 =	simm.s32 $0x10000  }
0x6: {  	s29 =	simm.s32 $0x14000;
	s30 =	simm.s32 $0xC000;
	s31 =	simm.s32 $0x1  }
0x7: {  	s0 =	sand.u32 $0x1, s0;
	s4 =	sshll.u32 s11, $0x1;
	[smem:$0x7FF] =	sst s7  }
0x8: {  	s21 =	sshll.u32 s11, $0xD;
	s26 =	sshll.u32 s11, $0xA;
	p0 =	sgt.u32 s11, $0x1  }
0x9: {  	s4 =	sor.u32 s0, s4;
	_ =	strace $0x80000047;
	s9 =	ssub.s32 $0x2, s0  }
0xa: {  	s0 =	sshll.u32 s0, $0xE;
	s8 =	smul.u32 $0x4E, s4;
	s10 =	sshrl.u32 s9, $0x1  }
0xb: {  	s4 =	smin.u32 s4, $0x4;
	s0 =	sadd.s32 s0, s5;
	s20 =	ssub.s32 s9, s10  }
0xc: {  	s9 =	sadd.s32 s21, s6;
	s0 =	sadd.s32 $0xA800, s0;
	s8 =	sadd.s32 s4, s8  }
0xd: {  	s21 =	simm.s32 $0x5;
	s20 =	smax.u32 s20, $0x1;
	s4 =	sshll.u32 s8, $0x4  }
0xe: {  	s10 =	sand.u32 $0x7, s8;
	s16 =	sshll.u32 s8, $0xB;
	s4 =	sand.u32 $0x1FF80, s4  }
0xf: {  	s12 =	sadd.s32 s2, s16;
	s13 =	sadd.s32 s3, s16;
	s14 =	sadd.s32 s1, s16  }
0x10: {  	s15 =	sadd.s32 $0x1, s10;
	s22 =	sadd.s32 $0x27000, s16;
	s24 =	sshll.u32 s10, $0x7  }
0x11: {  	s4 =	sadd.s32 s4, s5;
	s16 =	sadd.s32 s2, s22;
	s23 =	sadd.s32 s3, s22  }
.Ltmp0:
0x12: {  	s25 =	sadd.s32 $0x1A700, s24;
	[dreg:$0x8] =	wrdreg s16;
	(pc) =	sbr.rel .LBB2_1-.Ltmp0, $4  }
0x13: {  	s24 =	sadd.s32 s26, s0;
	s0 =	simm.s32 $0x2;
	[dreg:$0x9] =	wrdreg s23  }
0x14: {  	s5 =	simm.s32 $0x3;
	s4 =	sadd.s32 $0x600, s4;
	[dreg:$0xb] =	wrdreg s25  }
0x15: {  	s23 =	simm.s32 $0x0;
	[dreg:$0x7] =	wrdreg s4;
	s4 =	sadd.s32 s1, s22  }
0x16: {  	v0 =	vimm.f32 $0.0e+00;
	s22 =	simm.s32 $0x4;
	[dreg:$0xa] =	wrdreg s4;
	s4 =	simm.s32 $0x80  }
.LBB2_13:
0x17: {  	[bflag:$0x0] =	sbarrier.arrive $0xFFFF  }
0x18: {  	[tilespmem:s7], [sflag:$0x5] =	stream.linear.gather [spmem:s9], $0x2000, $0x38;
	[tilespmem:$0x1CE00] =	vst v63  }
0x19: {  	s23 =	sadd.s32 $0x1, s23;
	_ =	swait.ge [sflag:s21], $0x2000  }
0x1a: {  	p1 =	sne.s32 s23, s20;
	[sflag:s21] =	ssyncset.done $0x0  }
.Ltmp1:
0x1b: {  	[sflag:s21] =	ssyncadd.s32 $0xFFFFE000;
	(pc) =	sbr.rel @!p1 .LBB2_14-.Ltmp1, $4  }
0x1c: {  	[hbm4b:s24+s7] =	stream.linear.scatter [tilespmem:s7], [sflag:$0x5], $0x2000, $0x38;
	[tilespmem:$0x1CE00] =	vst v63  }
0x1d: {  	_ =	swait.ge [sflag:s21], $0x2000  }
0x1e: {  	[sflag:s21] =	ssyncset.done $0x0  }
0x1f: {  	[sflag:s21] =	ssyncadd.s32 $0xFFFFE000  }
.LBB2_1:
0x20: {  	s16 =	simm.s32 $0x0;
	s17 =	simm.s32 $0x200  }
.LBB2_2:
0x21: {  	p1 =	sne.s32 s17, $0x7E00;
	[tilespmem:s16+$0x70] =	vst v0  }
0x22: {  	[tilespmem:s16+$0x0] =	vst v0  }
0x23: {  	[tilespmem:s16+$0x10] =	vst v0  }
.Ltmp2:
0x24: {  	[tilespmem:s16+$0x20] =	vst v0;
	(pc) =	sbr.rel @p1 .LBB2_2-.Ltmp2, $4  }
0x25: {  	[tilespmem:s16+$0x30] =	vst v0  }
0x26: {  	[tilespmem:s16+$0x40] =	vst v0  }
0x27: {  	[tilespmem:s16+$0x50] =	vst v0  }
0x28: {  	[tilespmem:s16+$0x60] =	vst v0;
	s16 =	sshra.s32 s17, $0x2;
	s17 =	sadd.s32 $0x200, s17  }
0x29: {  	[tilespmem:s16+$0x70] =	vst v0  }
0x2a: {  	[tilespmem:s16+$0x0] =	vst v0  }
0x2b: {  	[tilespmem:s16+$0x10] =	vst v0  }
0x2c: {  	[tilespmem:s16+$0x20] =	vst v0  }
0x2d: {  	[tilespmem:s16+$0x30] =	vst v0  }
0x2e: {  	[tilespmem:s16+$0x40] =	vst v0  }
0x2f: {  	[tilespmem:s16+$0x50] =	vst v0  }
0x30: {  	[tilespmem:s16+$0x60] =	vst v0;
	s16 =	simm.s32 $0x0  }
0x31: {  	[spmem:s9] =	stream.linear.scatter [tilespmem:s16], [sflag:$0x5], $0x2000, $0x38;
	[tilespmem:$0x1CE00] =	vst v63  }
0x32: {  	_ =	swait.ge [sflag:s21], $0x2000  }
0x33: {  	[sflag:s21] =	ssyncset.done $0x0  }
0x34: {  	[sflag:s21] =	ssyncadd.s32 $0xFFFFE000  }
0x35: {  	s17 =	simm.s32 $0x1AC00;
	s11 =	rddreg [dreg:$0x4]  }
0x36: {  	[tilespmem:s17], [sflag:$0x5] =	stream.linear.gather [hbm4b:s11+s16], $0x180, $0x38;
	[tilespmem:$0x1CE00] =	vst v63  }
0x37: {  	_ =	swait.ge [sflag:s21], $0x180  }
0x38: {  	[sflag:s21] =	ssyncset.done $0x0  }
0x39: {  	s19 =	simm.s32 $0x18000;
	s18 =	rddreg [dreg:$0x7];
	[sflag:s21] =	ssyncadd.s32 $0xFFFFFE80  }
0x3a: {  	[tilespmem:s19], [sflag:$0x5] =	stream.linear.gather [hbm4b:s18+s16], $0x2C00, $0x38;
	[tilespmem:$0x1CE00] =	vst v63  }
0x3b: {  	_ =	swait.ge [sflag:s21], $0x2C00  }
0x3c: {  	[sflag:s21] =	ssyncset.done $0x0  }
0x3d: {  	[sflag:s21] =	ssyncadd.s32 $0xFFFFD400  }
0x3e: {  	s25 =	simm.s32 $0x4000;
	[bflag:$0x0] =	sbarrier.arrive $0xFFFF  }
0x3f: {  	[tilespmem:s25], [sflag:$0x1] =	stream.linear.gather [hbm4b:s12+s16], $0x4000, $0x38;
	[tilespmem:$0x1CE00] =	vst v63  }
0x40: {  	s26 =	simm.s32 $0x8000  }
0x41: {  	[tilespmem:s26], [sflag:$0x1] =	stream.linear.gather [hbm4b:s13+s16], $0x4000, $0x38;
	[tilespmem:$0x1CE00] =	vst v63  }
0x42: {  	s17 =	simm.s32 $0x0  }
0x43: {  	[tilespmem:s16], [sflag:$0x1] =	stream.linear.gather [hbm4b:s14+s16], $0x4000, $0x38;
	[tilespmem:$0x1CE00] =	vst v63  }
.LBB2_4:
0x44: {  	s18 =	sshll.u32 s17, $0x1  }
0x45: {  	s19 =	sadd.s32 s8, s18  }
0x46: {  	s19 =	sshll.u32 s19, $0xB  }
0x47: {  	s25 =	sadd.s32 $0x800, s19  }
0x48: {  	p1 =	seq.s32 s17, $0x0;
	s26 =	sadd.s32 s2, s25  }
0x49: {  	[tilespmem:s28], [sflag:$0x2] =	stream.linear.gather [hbm4b:s26+s7], $0x4000, $0x38;
	[tilespmem:$0x1CE00] =	vst v63  }
0x4a: {  	s11 =	sadd.s32 s3, s25;
	s26 =	simm.s32 @!p1 $0x4  }
0x4b: {  	[tilespmem:s29], [sflag:$0x2] =	stream.linear.gather [hbm4b:s11+s7], $0x4000, $0x38;
	[tilespmem:$0x1CE00] =	vst v63  }
0x4c: {  	_ =	swait.ge @!p1 [sflag:s26], $0x4000  }
0x4d: {  	[sflag:s26] =	ssyncset.done @!p1 $0x0  }
0x4e: {  	s25 =	sadd.s32 s1, s25;
	[sflag:s26] =	ssyncadd.s32 @!p1 $0xFFFFC000  }
0x4f: {  	[tilespmem:s30], [sflag:$0x2] =	stream.linear.gather [hbm4b:s25+s16], $0x4000, $0x38;
	[tilespmem:$0x1CE00] =	vst v63  }
0x50: {  	_ =	swait.ge [sflag:s31], $0x4000  }
0x51: {  	[sflag:s31] =	ssyncset.done $0x0  }
0x52: {  	[sflag:s31] =	ssyncadd.s32 $0xFFFFC000  }
0x53: {  	_ =	swait.ge [sflag:s31], $0x4000  }
0x54: {  	[sflag:s31] =	ssyncset.done $0x0  }
0x55: {  	[sflag:s31] =	ssyncadd.s32 $0xFFFFC000  }
0x56: {  	_ =	swait.ge [sflag:s31], $0x4000  }
0x57: {  	[sflag:s31] =	ssyncset.done $0x0  }
0x58: {  	[sflag:s31] =	ssyncadd.s32 $0xFFFFC000  }
0x59: {  	v2 =	vld [tilespmem:$0x1AC00]  }
0x5a: {  	v3 =	vld [tilespmem:$0x1AC80]  }
0x5b: {  	s25 =	simm.s32 $0x0;
	v1 =	vld [tilespmem:$0x1AD00]  }
0x5c: {  	v4 =	vld [tilespmem:s25+$0x8000]  }
0x5d: {  	v5 =	vld [tilespmem:s25+$0x8010]  }
0x5e: {  	v6 =	vld [tilespmem:s25+$0x8020]  }
0x5f: {  	v12 =	vld [tilespmem:s25+$0x8030]  }
0x60: {  	v13 =	vld [tilespmem:s25+$0x8040]  }
0x61: {  	v14 =	vld [tilespmem:s25+$0x8050]  }
0x62: {  	v15 =	vld [tilespmem:s25+$0x4000]  }
0x63: {  	v16 =	vld [tilespmem:s25+$0x4010]  }
0x64: {  	v17 =	vld [tilespmem:s25+$0x4020]  }
0x65: {  	v18 =	vld [tilespmem:s25+$0x4030]  }
0x66: {  	v23 =	vld [tilespmem:s25+$0x4040]  }
0x67: {  	v25 =	vld [tilespmem:s25+$0x4050]  }
0x68: {  	v11 =	vld [tilespmem:s25+$0x4060]  }
0x69: {  	v9 =	vld [tilespmem:s25+$0x4070]  }
0x6a: {  	v24 =	vld [tilespmem:s25+$0x0];
	v10 =	vmul.f32 v4, v1;
	v8 =	vmul.f32 v5, v1  }
0x6b: {  	v26 =	vld [tilespmem:s25+$0x10];
	v7 =	vmul.f32 v6, v1;
	v6 =	vmul.f32 v12, v1  }
0x6c: {  	v19 =	vld [tilespmem:s25+$0x20];
	v5 =	vmul.f32 v13, v1;
	v4 =	vmul.f32 v14, v1  }
0x6d: {  	v21 =	vld [tilespmem:s25+$0x30];
	v22 =	vmul.f32 v15, v3;
	v20 =	vmul.f32 v16, v3  }
0x6e: {  	v17 =	vmul.f32 v17, v3;
	v14 =	vmul.f32 v18, v3;
	v18 =	vld [tilespmem:s25+$0x40]  }
0x6f: {  	v24 =	vmul.f32 v24, v2;
	v13 =	vmul.f32 v23, v3;
	v16 =	vld [tilespmem:s25+$0x50]  }
0x70: {  	s26 =	simm.s32 $0x200;
	v23 =	vmul.f32 v26, v2;
	v12 =	vmul.f32 v25, v3;
	v15 =	vld [tilespmem:s25+$0x60]  }
.LBB2_5:
0x71: {  	p1 =	sne.s32 s26, $0xFE00;
	v22 =	vadd.f32 v22, v24;
	v19 =	vmul.f32 v19, v2;
	v11 =	vmul.f32 v11, v3;
	v24 =	vld [tilespmem:s25+$0x70]  }
0x72: {  	v9 =	vmul.f32 v9, v3;
	v20 =	vadd.f32 v20, v23;
	v21 =	vmul.f32 v21, v2;
	v23 =	vld [tilespmem:s25+$0x8060]  }
0x73: {  	s11 =	sshra.s32 s26, $0x2;
	v10 =	vadd.f32 v10, v22;
	v17 =	vadd.f32 v17, v19;
	v18 =	vmul.f32 v18, v2;
	v19 =	vld [tilespmem:s25+$0x8070]  }
0x74: {  	v22 =	vld [tilespmem:s11+$0x8000];
	v8 =	vadd.f32 v8, v20;
	v14 =	vadd.f32 v14, v21;
	v16 =	vmul.f32 v16, v2  }
0x75: {  	v20 =	vld [tilespmem:s11+$0x8010];
	[tilespmem:s25+$0x0] =	vst v10;
	v7 =	vadd.f32 v7, v17;
	v10 =	vadd.f32 v13, v18;
	v13 =	vmul.f32 v15, v2  }
0x76: {  	v15 =	vld [tilespmem:s11+$0x8020];
	[tilespmem:s25+$0x10] =	vst v8;
	v6 =	vadd.f32 v6, v14;
	v8 =	vadd.f32 v12, v16;
	v12 =	vmul.f32 v24, v2  }
0x77: {  	v14 =	vld [tilespmem:s11+$0x8030];
	[tilespmem:s25+$0x20] =	vst v7;
	v5 =	vadd.f32 v5, v10;
	v7 =	vadd.f32 v11, v13;
	v10 =	vmul.f32 v23, v1  }
0x78: {  	v13 =	vld [tilespmem:s11+$0x8040];
	[tilespmem:s25+$0x30] =	vst v6;
	v4 =	vadd.f32 v4, v8;
	v6 =	vadd.f32 v9, v12;
	v8 =	vmul.f32 v19, v1  }
0x79: {  	v12 =	vld [tilespmem:s11+$0x8050];
	[tilespmem:s25+$0x40] =	vst v5;
	v5 =	vadd.f32 v10, v7  }
0x7a: {  	v16 =	vld [tilespmem:s11+$0x4000];
	[tilespmem:s25+$0x50] =	vst v4;
	v4 =	vadd.f32 v8, v6  }
0x7b: {  	v17 =	vld [tilespmem:s11+$0x4010];
	[tilespmem:s25+$0x60] =	vst v5  }
0x7c: {  	v18 =	vld [tilespmem:s11+$0x4020];
	[tilespmem:s25+$0x70] =	vst v4;
	s25 =	smov.u32 s11  }
0x7d: {  	v23 =	vld [tilespmem:s25+$0x4030]  }
0x7e: {  	v25 =	vld [tilespmem:s25+$0x4040]  }
0x7f: {  	v26 =	vld [tilespmem:s25+$0x4050]  }
0x80: {  	v11 =	vld [tilespmem:s25+$0x4060]  }
0x81: {  	v9 =	vld [tilespmem:s25+$0x4070]  }
0x82: {  	v10 =	vmul.f32 v22, v1;
	v8 =	vmul.f32 v20, v1;
	v24 =	vld [tilespmem:s25+$0x0]  }
0x83: {  	v7 =	vmul.f32 v15, v1;
	v6 =	vmul.f32 v14, v1;
	v27 =	vld [tilespmem:s25+$0x10]  }
.Ltmp3:
0x84: {  	v5 =	vmul.f32 v13, v1;
	v4 =	vmul.f32 v12, v1;
	v19 =	vld [tilespmem:s25+$0x20];
	(pc) =	sbr.rel @p1 .LBB2_5-.Ltmp3, $4  }
0x85: {  	v22 =	vmul.f32 v16, v3;
	v20 =	vmul.f32 v17, v3;
	v21 =	vld [tilespmem:s25+$0x30]  }
0x86: {  	v17 =	vmul.f32 v18, v3;
	v14 =	vmul.f32 v23, v3;
	v18 =	vld [tilespmem:s25+$0x40]  }
0x87: {  	v13 =	vmul.f32 v25, v3;
	v24 =	vmul.f32 v24, v2;
	v16 =	vld [tilespmem:s25+$0x50]  }
0x88: {  	s26 =	sadd.s32 $0x200, s26;
	v12 =	vmul.f32 v26, v3;
	v23 =	vmul.f32 v27, v2;
	v15 =	vld [tilespmem:s25+$0x60]  }
0x89: {  	v22 =	vadd.f32 v22, v24;
	v19 =	vmul.f32 v19, v2;
	v11 =	vmul.f32 v11, v3;
	v24 =	vld [tilespmem:s25+$0x70]  }
0x8a: {  	v3 =	vmul.f32 v9, v3;
	v20 =	vadd.f32 v20, v23;
	v21 =	vmul.f32 v21, v2;
	v23 =	vld [tilespmem:s25+$0x8060]  }
0x8b: {  	v9 =	vadd.f32 v10, v22;
	v10 =	vadd.f32 v17, v19;
	v17 =	vmul.f32 v18, v2;
	v18 =	vld [tilespmem:s25+$0x8070]  }
0x8c: {  	v8 =	vadd.f32 v8, v20;
	v14 =	vadd.f32 v14, v21;
	v16 =	vmul.f32 v16, v2  }
0x8d: {  	[tilespmem:s25+$0x0] =	vst v9;
	v7 =	vadd.f32 v7, v10;
	v9 =	vadd.f32 v13, v17;
	v10 =	vmul.f32 v15, v2  }
0x8e: {  	[tilespmem:s25+$0x10] =	vst v8;
	v6 =	vadd.f32 v6, v14;
	v8 =	vadd.f32 v12, v16;
	v2 =	vmul.f32 v24, v2  }
0x8f: {  	[tilespmem:s25+$0x20] =	vst v7;
	v5 =	vadd.f32 v5, v9;
	v7 =	vadd.f32 v11, v10;
	v9 =	vmul.f32 v23, v1  }
0x90: {  	[tilespmem:s25+$0x30] =	vst v6;
	v4 =	vadd.f32 v4, v8;
	v2 =	vadd.f32 v3, v2;
	v1 =	vmul.f32 v18, v1  }
0x91: {  	s11 =	sadd.s32 s10, s18;
	[tilespmem:s25+$0x40] =	vst v5;
	v3 =	vadd.f32 v9, v7  }
0x92: {  	s11 =	sshll.u32 s11, $0x7;
	[tilespmem:s25+$0x50] =	vst v4;
	v1 =	vadd.f32 v1, v2  }
0x93: {  	s11 =	sand.u32 $0x3FFFFF80, s11;
	[tilespmem:s25+$0x60] =	vst v3  }
0x94: {  	p1 =	seq.s32 s17, $0x26;
	s11 =	sadd.s32 $0x18000, s11;
	[tilespmem:s25+$0x70] =	vst v1  }
0x95: {  	[spmem:s6] =	stream.indirect.scatter.add.f32 [tilespmem:s7], [sflag:$0x3], $0x80, s11, s4, $0xb8;
	[tilespmem:$0x1CE00] =	vst v63  }
0x96: {  	s11 =	sadd.s32 @!p1 $0x1000, s19  }
0x97: {  	s26 =	simm.s32 @!p1 $0x4000;
	s25 =	simm.s32 @!p1 $0x0;
	s19 =	sadd.s32 @!p1 s2, s11  }
0x98: {  	[tilespmem:s26], [sflag:$0x1] =	stream.linear.gather @!p1 [hbm4b:s19+s25], $0x4000, $0x38;
	[tilespmem:$0x1CE00] =	vst v63  }
0x99: {  	s19 =	sadd.s32 @!p1 s3, s11;
	s26 =	simm.s32 @!p1 $0x8000  }
0x9a: {  	[tilespmem:s26], [sflag:$0x1] =	stream.linear.gather @!p1 [hbm4b:s19+s25], $0x4000, $0x38;
	[tilespmem:$0x1CE00] =	vst v63  }
0x9b: {  	s19 =	simm.s32 @!p1 $0x3  }
0x9c: {  	_ =	swait.ge @!p1 [sflag:s19], $0x4000  }
0x9d: {  	[sflag:s19] =	ssyncset.done @!p1 $0x0  }
0x9e: {  	s11 =	sadd.s32 @!p1 s1, s11;
	[sflag:s19] =	ssyncadd.s32 @!p1 $0xFFFFC000  }
0x9f: {  	[tilespmem:s25], [sflag:$0x1] =	stream.linear.gather @!p1 [hbm4b:s11+s25], $0x4000, $0x38;
	[tilespmem:$0x1CE00] =	vst v63  }
0xa0: {  	_ =	swait.ge [sflag:s0], $0x4000  }
0xa1: {  	[sflag:s0] =	ssyncset.done $0x0  }
0xa2: {  	[sflag:s0] =	ssyncadd.s32 $0xFFFFC000  }
0xa3: {  	_ =	swait.ge [sflag:s0], $0x4000  }
0xa4: {  	[sflag:s0] =	ssyncset.done $0x0  }
0xa5: {  	[sflag:s0] =	ssyncadd.s32 $0xFFFFC000  }
0xa6: {  	_ =	swait.ge [sflag:s0], $0x4000  }
0xa7: {  	[sflag:s0] =	ssyncset.done $0x0  }
0xa8: {  	[sflag:s0] =	ssyncadd.s32 $0xFFFFC000  }
0xa9: {  	v2 =	vld [tilespmem:$0x1AC00]  }
0xaa: {  	v3 =	vld [tilespmem:$0x1AC80]  }
0xab: {  	s19 =	simm.s32 $0x0;
	v1 =	vld [tilespmem:$0x1AD00]  }
0xac: {  	v4 =	vld [tilespmem:s19+$0x14000]  }
0xad: {  	v5 =	vld [tilespmem:s19+$0x14010]  }
0xae: {  	v6 =	vld [tilespmem:s19+$0x14020]  }
0xaf: {  	v12 =	vld [tilespmem:s19+$0x14030]  }
0xb0: {  	v13 =	vld [tilespmem:s19+$0x14040]  }
0xb1: {  	v14 =	vld [tilespmem:s19+$0x14050]  }
0xb2: {  	v15 =	vld [tilespmem:s19+$0x10000]  }
0xb3: {  	v16 =	vld [tilespmem:s19+$0x10010]  }
0xb4: {  	v17 =	vld [tilespmem:s19+$0x10020]  }
0xb5: {  	v18 =	vld [tilespmem:s19+$0x10030]  }
0xb6: {  	v23 =	vld [tilespmem:s19+$0x10040]  }
0xb7: {  	v25 =	vld [tilespmem:s19+$0x10050]  }
0xb8: {  	v11 =	vld [tilespmem:s19+$0x10060]  }
0xb9: {  	v9 =	vld [tilespmem:s19+$0x10070]  }
0xba: {  	v24 =	vld [tilespmem:s19+$0xC000];
	v10 =	vmul.f32 v4, v1;
	v8 =	vmul.f32 v5, v1  }
0xbb: {  	v26 =	vld [tilespmem:s19+$0xC010];
	v7 =	vmul.f32 v6, v1;
	v6 =	vmul.f32 v12, v1  }
0xbc: {  	v19 =	vld [tilespmem:s19+$0xC020];
	v5 =	vmul.f32 v13, v1;
	v4 =	vmul.f32 v14, v1  }
0xbd: {  	v21 =	vld [tilespmem:s19+$0xC030];
	v22 =	vmul.f32 v15, v3;
	v20 =	vmul.f32 v16, v3  }
0xbe: {  	v17 =	vmul.f32 v17, v3;
	v14 =	vmul.f32 v18, v3;
	v18 =	vld [tilespmem:s19+$0xC040]  }
0xbf: {  	v24 =	vmul.f32 v24, v2;
	v13 =	vmul.f32 v23, v3;
	v16 =	vld [tilespmem:s19+$0xC050]  }
0xc0: {  	s25 =	simm.s32 $0x200;
	v23 =	vmul.f32 v26, v2;
	v12 =	vmul.f32 v25, v3;
	v15 =	vld [tilespmem:s19+$0xC060]  }
.LBB2_7:
0xc1: {  	p1 =	sne.s32 s25, $0xFE00;
	v22 =	vadd.f32 v22, v24;
	v19 =	vmul.f32 v19, v2;
	v11 =	vmul.f32 v11, v3;
	v24 =	vld [tilespmem:s19+$0xC070]  }
0xc2: {  	v9 =	vmul.f32 v9, v3;
	v20 =	vadd.f32 v20, v23;
	v21 =	vmul.f32 v21, v2;
	v23 =	vld [tilespmem:s19+$0x14060]  }
0xc3: {  	s11 =	sshra.s32 s25, $0x2;
	v10 =	vadd.f32 v10, v22;
	v17 =	vadd.f32 v17, v19;
	v18 =	vmul.f32 v18, v2;
	v19 =	vld [tilespmem:s19+$0x14070]  }
0xc4: {  	v22 =	vld [tilespmem:s11+$0x14000];
	v8 =	vadd.f32 v8, v20;
	v14 =	vadd.f32 v14, v21;
	v16 =	vmul.f32 v16, v2  }
0xc5: {  	v20 =	vld [tilespmem:s11+$0x14010];
	[tilespmem:s19+$0xC000] =	vst v10;
	v7 =	vadd.f32 v7, v17;
	v10 =	vadd.f32 v13, v18;
	v13 =	vmul.f32 v15, v2  }
0xc6: {  	v15 =	vld [tilespmem:s11+$0x14020];
	[tilespmem:s19+$0xC010] =	vst v8;
	v6 =	vadd.f32 v6, v14;
	v8 =	vadd.f32 v12, v16;
	v12 =	vmul.f32 v24, v2  }
0xc7: {  	v14 =	vld [tilespmem:s11+$0x14030];
	[tilespmem:s19+$0xC020] =	vst v7;
	v5 =	vadd.f32 v5, v10;
	v7 =	vadd.f32 v11, v13;
	v10 =	vmul.f32 v23, v1  }
0xc8: {  	v13 =	vld [tilespmem:s11+$0x14040];
	[tilespmem:s19+$0xC030] =	vst v6;
	v4 =	vadd.f32 v4, v8;
	v6 =	vadd.f32 v9, v12;
	v8 =	vmul.f32 v19, v1  }
0xc9: {  	v12 =	vld [tilespmem:s11+$0x14050];
	[tilespmem:s19+$0xC040] =	vst v5;
	v5 =	vadd.f32 v10, v7  }
0xca: {  	v16 =	vld [tilespmem:s11+$0x10000];
	[tilespmem:s19+$0xC050] =	vst v4;
	v4 =	vadd.f32 v8, v6  }
0xcb: {  	v17 =	vld [tilespmem:s11+$0x10010];
	[tilespmem:s19+$0xC060] =	vst v5  }
0xcc: {  	v18 =	vld [tilespmem:s11+$0x10020];
	[tilespmem:s19+$0xC070] =	vst v4;
	s19 =	smov.u32 s11  }
0xcd: {  	v23 =	vld [tilespmem:s19+$0x10030]  }
0xce: {  	v25 =	vld [tilespmem:s19+$0x10040]  }
0xcf: {  	v26 =	vld [tilespmem:s19+$0x10050]  }
0xd0: {  	v11 =	vld [tilespmem:s19+$0x10060]  }
0xd1: {  	v9 =	vld [tilespmem:s19+$0x10070]  }
0xd2: {  	v10 =	vmul.f32 v22, v1;
	v8 =	vmul.f32 v20, v1;
	v24 =	vld [tilespmem:s19+$0xC000]  }
0xd3: {  	v7 =	vmul.f32 v15, v1;
	v6 =	vmul.f32 v14, v1;
	v27 =	vld [tilespmem:s19+$0xC010]  }
.Ltmp4:
0xd4: {  	v5 =	vmul.f32 v13, v1;
	v4 =	vmul.f32 v12, v1;
	v19 =	vld [tilespmem:s19+$0xC020];
	(pc) =	sbr.rel @p1 .LBB2_7-.Ltmp4, $4  }
0xd5: {  	v22 =	vmul.f32 v16, v3;
	v20 =	vmul.f32 v17, v3;
	v21 =	vld [tilespmem:s19+$0xC030]  }
0xd6: {  	v17 =	vmul.f32 v18, v3;
	v14 =	vmul.f32 v23, v3;
	v18 =	vld [tilespmem:s19+$0xC040]  }
0xd7: {  	v13 =	vmul.f32 v25, v3;
	v24 =	vmul.f32 v24, v2;
	v16 =	vld [tilespmem:s19+$0xC050]  }
0xd8: {  	s25 =	sadd.s32 $0x200, s25;
	v12 =	vmul.f32 v26, v3;
	v23 =	vmul.f32 v27, v2;
	v15 =	vld [tilespmem:s19+$0xC060]  }
0xd9: {  	v22 =	vadd.f32 v22, v24;
	v19 =	vmul.f32 v19, v2;
	v11 =	vmul.f32 v11, v3;
	v53 =	vld [tilespmem:s19+$0xC070]  }
0xda: {  	v54 =	vld [tilespmem:s19+$0x14060];
	v3 =	vmul.f32 v9, v3;
	v20 =	vadd.f32 v20, v23;
	v21 =	vmul.f32 v21, v2  }
0xdb: {  	v58 =	vld [tilespmem:s19+$0x14070];
	v55 =	vadd.f32 v10, v22;
	v56 =	vadd.f32 v17, v19;
	v57 =	vmul.f32 v18, v2  }
0xdc: {  	v8 =	vadd.f32 v8, v20;
	v14 =	vadd.f32 v14, v21;
	v16 =	vmul.f32 v16, v2  }
0xdd: {  	[tilespmem:s19+$0xC000] =	vst v55;
	v7 =	vadd.f32 v7, v56;
	v59 =	vadd.f32 v13, v57;
	v60 =	vmul.f32 v15, v2  }
0xde: {  	[tilespmem:s19+$0xC010] =	vst v8;
	v6 =	vadd.f32 v6, v14;
	v61 =	vadd.f32 v12, v16;
	v2 =	vmul.f32 v53, v2  }
0xdf: {  	s17 =	sadd.s32 $0x1, s17;
	v63 =	vmul.f32 v54, v1;
	[tilespmem:s19+$0xC020] =	vst v7;
	v5 =	vadd.f32 v5, v59;
	v62 =	vadd.f32 v11, v60  }
0xe0: {  	p1 =	sne.s32 s17, $0x27;
	v1 =	vmul.f32 v58, v1;
	[tilespmem:s19+$0xC030] =	vst v6;
	v4 =	vadd.f32 v4, v61;
	v2 =	vadd.f32 v3, v2  }
.Ltmp5:
0xe1: {  	s11 =	sadd.s32 s18, s15;
	[tilespmem:s19+$0xC040] =	vst v5;
	v3 =	vadd.f32 v63, v62;
	(pc) =	sbr.rel @p1 .LBB2_4-.Ltmp5, $4  }
0xe2: {  	s11 =	sshll.u32 s11, $0x7;
	[tilespmem:s19+$0xC050] =	vst v4;
	v1 =	vadd.f32 v1, v2  }
0xe3: {  	s11 =	sand.u32 $0x3FFFFF80, s11;
	[tilespmem:s19+$0xC060] =	vst v3  }
0xe4: {  	s11 =	sadd.s32 $0x18000, s11;
	[tilespmem:s19+$0xC070] =	vst v1  }
0xe5: {  	[spmem:s6] =	stream.indirect.scatter.add.f32 [tilespmem:s30], [sflag:$0x4], $0x80, s11, s4, $0xb8;
	[tilespmem:$0x1CE00] =	vst v63  }
0xe6: {  	_ =	swait.ge [sflag:s5], $0x4000  }
.Ltmp6:
0xe7: {  	[sflag:s5] =	ssyncset.done $0x0;
	(pc) =	sbr.rel @p0 .LBB2_13-.Ltmp6, $4  }
0xe8: {  	[sflag:s5] =	ssyncadd.s32 $0xFFFFC000  }
0xe9: {  	_ =	swait.ge [sflag:s22], $0x4000  }
0xea: {  	[sflag:s22] =	ssyncset.done $0x0  }
0xeb: {  	[sflag:s22] =	ssyncadd.s32 $0xFFFFC000  }
0xec: {  	s11 =	simm.s32 $0x0;
	s16 =	rddreg [dreg:$0x8];
	s17 =	simm.s32 $0x4000  }
0xed: {  	[tilespmem:s17], [sflag:$0x1] =	stream.linear.gather [hbm4b:s16+s11], $0x4000, $0x38;
	[tilespmem:$0x1CE00] =	vst v63  }
0xee: {  	s19 =	rddreg [dreg:$0x9];
	s25 =	simm.s32 $0x8000  }
0xef: {  	[tilespmem:s25], [sflag:$0x1] =	stream.linear.gather [hbm4b:s19+s11], $0x4000, $0x38;
	[tilespmem:$0x1CE00] =	vst v63  }
0xf0: {  	s26 =	rddreg [dreg:$0xa]  }
0xf1: {  	[tilespmem:s11], [sflag:$0x1] =	stream.linear.gather [hbm4b:s26+s11], $0x4000, $0x38;
	[tilespmem:$0x1CE00] =	vst v63  }
0xf2: {  	_ =	swait.ge [sflag:s31], $0x4000  }
0xf3: {  	[sflag:s31] =	ssyncset.done $0x0  }
0xf4: {  	[sflag:s31] =	ssyncadd.s32 $0xFFFFC000  }
0xf5: {  	_ =	swait.ge [sflag:s31], $0x4000  }
0xf6: {  	[sflag:s31] =	ssyncset.done $0x0  }
0xf7: {  	[sflag:s31] =	ssyncadd.s32 $0xFFFFC000  }
0xf8: {  	_ =	swait.ge [sflag:s31], $0x4000  }
0xf9: {  	[sflag:s31] =	ssyncset.done $0x0  }
0xfa: {  	[sflag:s31] =	ssyncadd.s32 $0xFFFFC000  }
0xfb: {  	v2 =	vld [tilespmem:$0x1AC00]  }
0xfc: {  	v3 =	vld [tilespmem:$0x1AC80]  }
0xfd: {  	s16 =	simm.s32 $0x0;
	v1 =	vld [tilespmem:$0x1AD00]  }
0xfe: {  	v4 =	vld [tilespmem:s16+$0x8000]  }
0xff: {  	v5 =	vld [tilespmem:s16+$0x8010]  }
0x100: {  	v6 =	vld [tilespmem:s16+$0x8020]  }
0x101: {  	v12 =	vld [tilespmem:s16+$0x8030]  }
0x102: {  	v13 =	vld [tilespmem:s16+$0x8040]  }
0x103: {  	v14 =	vld [tilespmem:s16+$0x8050]  }
0x104: {  	v15 =	vld [tilespmem:s16+$0x4000]  }
0x105: {  	v16 =	vld [tilespmem:s16+$0x4010]  }
0x106: {  	v17 =	vld [tilespmem:s16+$0x4020]  }
0x107: {  	v18 =	vld [tilespmem:s16+$0x4030]  }
0x108: {  	v23 =	vld [tilespmem:s16+$0x4040]  }
0x109: {  	v25 =	vld [tilespmem:s16+$0x4050]  }
0x10a: {  	v11 =	vld [tilespmem:s16+$0x4060]  }
0x10b: {  	v9 =	vld [tilespmem:s16+$0x4070]  }
0x10c: {  	v24 =	vld [tilespmem:s16+$0x0];
	v10 =	vmul.f32 v4, v1;
	v8 =	vmul.f32 v5, v1  }
0x10d: {  	v26 =	vld [tilespmem:s16+$0x10];
	v7 =	vmul.f32 v6, v1;
	v6 =	vmul.f32 v12, v1  }
0x10e: {  	v19 =	vld [tilespmem:s16+$0x20];
	v5 =	vmul.f32 v13, v1;
	v4 =	vmul.f32 v14, v1  }
0x10f: {  	v21 =	vld [tilespmem:s16+$0x30];
	v22 =	vmul.f32 v15, v3;
	v20 =	vmul.f32 v16, v3  }
0x110: {  	v17 =	vmul.f32 v17, v3;
	v14 =	vmul.f32 v18, v3;
	v18 =	vld [tilespmem:s16+$0x40]  }
0x111: {  	v24 =	vmul.f32 v24, v2;
	v13 =	vmul.f32 v23, v3;
	v16 =	vld [tilespmem:s16+$0x50]  }
0x112: {  	s17 =	simm.s32 $0x200;
	v23 =	vmul.f32 v26, v2;
	v12 =	vmul.f32 v25, v3;
	v15 =	vld [tilespmem:s16+$0x60]  }
.LBB2_11:
0x113: {  	p1 =	sne.s32 s17, $0xFE00;
	v22 =	vadd.f32 v22, v24;
	v19 =	vmul.f32 v19, v2;
	v11 =	vmul.f32 v11, v3;
	v24 =	vld [tilespmem:s16+$0x70]  }
0x114: {  	v9 =	vmul.f32 v9, v3;
	v20 =	vadd.f32 v20, v23;
	v21 =	vmul.f32 v21, v2;
	v23 =	vld [tilespmem:s16+$0x8060]  }
0x115: {  	s11 =	sshra.s32 s17, $0x2;
	v10 =	vadd.f32 v10, v22;
	v17 =	vadd.f32 v17, v19;
	v18 =	vmul.f32 v18, v2;
	v19 =	vld [tilespmem:s16+$0x8070]  }
0x116: {  	v22 =	vld [tilespmem:s11+$0x8000];
	v8 =	vadd.f32 v8, v20;
	v14 =	vadd.f32 v14, v21;
	v16 =	vmul.f32 v16, v2  }
0x117: {  	v20 =	vld [tilespmem:s11+$0x8010];
	[tilespmem:s16+$0x0] =	vst v10;
	v7 =	vadd.f32 v7, v17;
	v10 =	vadd.f32 v13, v18;
	v13 =	vmul.f32 v15, v2  }
0x118: {  	v15 =	vld [tilespmem:s11+$0x8020];
	[tilespmem:s16+$0x10] =	vst v8;
	v6 =	vadd.f32 v6, v14;
	v8 =	vadd.f32 v12, v16;
	v12 =	vmul.f32 v24, v2  }
0x119: {  	v14 =	vld [tilespmem:s11+$0x8030];
	[tilespmem:s16+$0x20] =	vst v7;
	v5 =	vadd.f32 v5, v10;
	v7 =	vadd.f32 v11, v13;
	v10 =	vmul.f32 v23, v1  }
0x11a: {  	v13 =	vld [tilespmem:s11+$0x8040];
	[tilespmem:s16+$0x30] =	vst v6;
	v4 =	vadd.f32 v4, v8;
	v6 =	vadd.f32 v9, v12;
	v8 =	vmul.f32 v19, v1  }
0x11b: {  	v12 =	vld [tilespmem:s11+$0x8050];
	[tilespmem:s16+$0x40] =	vst v5;
	v5 =	vadd.f32 v10, v7  }
0x11c: {  	v16 =	vld [tilespmem:s11+$0x4000];
	[tilespmem:s16+$0x50] =	vst v4;
	v4 =	vadd.f32 v8, v6  }
0x11d: {  	v17 =	vld [tilespmem:s11+$0x4010];
	[tilespmem:s16+$0x60] =	vst v5  }
0x11e: {  	v18 =	vld [tilespmem:s11+$0x4020];
	[tilespmem:s16+$0x70] =	vst v4;
	s16 =	smov.u32 s11  }
0x11f: {  	v23 =	vld [tilespmem:s16+$0x4030]  }
0x120: {  	v25 =	vld [tilespmem:s16+$0x4040]  }
0x121: {  	v26 =	vld [tilespmem:s16+$0x4050]  }
0x122: {  	v11 =	vld [tilespmem:s16+$0x4060]  }
0x123: {  	v9 =	vld [tilespmem:s16+$0x4070]  }
0x124: {  	v10 =	vmul.f32 v22, v1;
	v8 =	vmul.f32 v20, v1;
	v24 =	vld [tilespmem:s16+$0x0]  }
0x125: {  	v7 =	vmul.f32 v15, v1;
	v6 =	vmul.f32 v14, v1;
	v27 =	vld [tilespmem:s16+$0x10]  }
.Ltmp7:
0x126: {  	v5 =	vmul.f32 v13, v1;
	v4 =	vmul.f32 v12, v1;
	v19 =	vld [tilespmem:s16+$0x20];
	(pc) =	sbr.rel @p1 .LBB2_11-.Ltmp7, $4  }
0x127: {  	v22 =	vmul.f32 v16, v3;
	v20 =	vmul.f32 v17, v3;
	v21 =	vld [tilespmem:s16+$0x30]  }
0x128: {  	v17 =	vmul.f32 v18, v3;
	v14 =	vmul.f32 v23, v3;
	v18 =	vld [tilespmem:s16+$0x40]  }
0x129: {  	v13 =	vmul.f32 v25, v3;
	v24 =	vmul.f32 v24, v2;
	v16 =	vld [tilespmem:s16+$0x50]  }
0x12a: {  	s17 =	sadd.s32 $0x200, s17;
	v12 =	vmul.f32 v26, v3;
	v23 =	vmul.f32 v27, v2;
	v15 =	vld [tilespmem:s16+$0x60]  }
0x12b: {  	v22 =	vadd.f32 v22, v24;
	v19 =	vmul.f32 v19, v2;
	v11 =	vmul.f32 v11, v3;
	v53 =	vld [tilespmem:s16+$0x70]  }
0x12c: {  	v54 =	vld [tilespmem:s16+$0x8060];
	v3 =	vmul.f32 v9, v3;
	v20 =	vadd.f32 v20, v23;
	v21 =	vmul.f32 v21, v2  }
0x12d: {  	v58 =	vld [tilespmem:s16+$0x8070];
	v55 =	vadd.f32 v10, v22;
	v56 =	vadd.f32 v17, v19;
	v57 =	vmul.f32 v18, v2  }
0x12e: {  	v8 =	vadd.f32 v8, v20;
	v14 =	vadd.f32 v14, v21;
	v16 =	vmul.f32 v16, v2  }
0x12f: {  	[tilespmem:s16+$0x0] =	vst v55;
	v7 =	vadd.f32 v7, v56;
	v59 =	vadd.f32 v13, v57;
	v60 =	vmul.f32 v15, v2  }
0x130: {  	[tilespmem:s16+$0x10] =	vst v8;
	v6 =	vadd.f32 v6, v14;
	v61 =	vadd.f32 v12, v16;
	v2 =	vmul.f32 v53, v2  }
0x131: {  	v63 =	vmul.f32 v54, v1;
	[tilespmem:s16+$0x20] =	vst v7;
	v5 =	vadd.f32 v5, v59;
	v62 =	vadd.f32 v11, v60  }
0x132: {  	v1 =	vmul.f32 v58, v1;
	[tilespmem:s16+$0x30] =	vst v6;
	v4 =	vadd.f32 v4, v61;
	v2 =	vadd.f32 v3, v2  }
0x133: {  	[tilespmem:s16+$0x40] =	vst v5;
	v3 =	vadd.f32 v63, v62  }
0x134: {  	[tilespmem:s16+$0x50] =	vst v4;
	v1 =	vadd.f32 v1, v2  }
0x135: {  	[tilespmem:s16+$0x60] =	vst v3  }
.Ltmp8:
0x136: {  	s11 =	rddreg [dreg:$0xb];
	[tilespmem:s16+$0x70] =	vst v1;
	(pc) =	sbr.rel .LBB2_13-.Ltmp8, $4  }
0x137: {  	[spmem:s6] =	stream.indirect.scatter.add.f32 [tilespmem:s7], [sflag:$0x3], $0x80, s11, s4, $0xb8;
	[tilespmem:$0x1CE00] =	vst v63  }
0x138: {  	_ =	swait.ge [sflag:s5], $0x4000  }
0x139: {  	[sflag:s5] =	ssyncset.done $0x0  }
0x13a: {  	[sflag:s5] =	ssyncadd.s32 $0xFFFFC000  }
.LBB2_14:
0x13b: {  	_ =	sfence.sel $0x180000  }
0x13c: {  	[bflag:$0x0] =	sbarrier.arrive $0xFFFF  }
0x13d: {  	_ =	strace $0x90000047  }
0x13e: {  	s0 =	stileid.u32;
	[bflag:$0x2] =	sbarrier.arrive $0xFFFF  }
0x13f: {  	p0 =	sne.s32 s0, $0x0;
	s0 =	rddreg [dreg:$0x6]  }
0x140: {  	s0 =	sadd.s32 @!p0 $0x100000, s0  }
0x141: {  	[sflag:s0] =	ssyncadd.tile.s32 @!p0 $0x1;
	_ =	shalt  }
.Lfunc_end2:
_tile_overlayer_lowered:
.L_overlay_start_2:
0x142: {  	(tag) =	ssettag $0x2  }
0x143: {  	s0 =	rddreg [dreg:$0x0];
	s2 =	stileid.u32  }
0x144: {  	s1 =	rddreg [dreg:$0x1];
	p0 =	sne.s32 s2, $0x0  }
0x145: {  	s3 =	rddreg [dreg:$0x2];
	[bflag:$0x3] =	sbarrier.arrive $0xFFFF;
	s2 =	simm.s32 @!p0 $0x1C05  }
0x146: {  	[timem:s3], [sflag:s2] =	dma.local @!p0 [hbm:s0], s1  }
0x147: {  	s0 =	simm.s32 @!p0 $0x5  }
0x148: {  	_ =	swait.ge @!p0 [sflag:s0], s1  }
0x149: {  	s1 =	ssub.s32 @!p0 $0x0, s1;
	[sflag:s0] =	ssyncset.done @!p0 $0x0  }
0x14a: {  	[sflag:s0] =	ssyncadd.s32 @!p0 s1  }
0x14b: {  	[bflag:$0x3] =	sbarrier.arrive $0xFFFF  }
0x14c: {  	_ =	shalt  }

</sc_bundles>
